<compile_context>
chip_gen: v7x
topology: tpu7x:2x2x1
jax: 0.10.2.dev20260603
libtpu: 0.0.44.dev20260713+nightly
codegen_flags: <defaults>
</compile_context>

<pallas_src>
import functools

import jax
import jax.numpy as jnp
from jax import lax
from jax.experimental import pallas as pl
from jax.experimental.pallas import tpu as pltpu
from jax.experimental.pallas import tpu_sc as plsc

_MAX_LEN = 8192
_D_MODEL = 768
_BATCH = 4
_NUM_CORES = 2
_NUM_SUBCORES = 16
_NUM_WORKERS = _NUM_CORES * _NUM_SUBCORES
_ROWS_PER_WORKER = _MAX_LEN // _NUM_WORKERS
_CHUNK_ROWS = 64
_NUM_CHUNKS = _ROWS_PER_WORKER // _CHUNK_ROWS


def _make_sc_broadcast():
  mesh = plsc.VectorSubcoreMesh(core_axis_name="c", subcore_axis_name="s")

  @functools.partial(
      pl.kernel,
      mesh=mesh,
      out_type=jax.ShapeDtypeStruct((_BATCH, _MAX_LEN, _D_MODEL),
                                    jnp.float32),
      scratch_types=[
          pltpu.VMEM((_CHUNK_ROWS, _D_MODEL), jnp.float32),
          pltpu.VMEM((_CHUNK_ROWS, _D_MODEL), jnp.float32),
          pltpu.SemaphoreType.DMA,
          pltpu.SemaphoreType.DMA,
          pltpu.SemaphoreType.DMA,
          pltpu.SemaphoreType.DMA,
      ],
  )
  def broadcast_kernel(table_hbm, out_hbm, buf0, buf1, gsem0, gsem1,
                       ssem0, ssem1):
    wid = lax.axis_index("s") * _NUM_CORES + lax.axis_index("c")
    base = wid * _ROWS_PER_WORKER
    bufs = (buf0, buf1)
    gsems = (gsem0, gsem1)
    ssems = (ssem0, ssem1)

    def rows(i):
      return pl.ds(base + i * _CHUNK_ROWS, _CHUNK_ROWS)

    gathers = [None] * _NUM_CHUNKS
    pending_scatters = [[], []]
    gathers[0] = pltpu.async_copy(table_hbm.at[rows(0)], bufs[0], gsems[0])
    for i in range(_NUM_CHUNKS):
      bi = i % 2
      if i + 1 < _NUM_CHUNKS:
        ni = (i + 1) % 2
        for c in pending_scatters[ni]:
          c.wait()
        pending_scatters[ni] = []
        gathers[i + 1] = pltpu.async_copy(table_hbm.at[rows(i + 1)],
                                          bufs[ni], gsems[ni])
      gathers[i].wait()
      pending_scatters[bi] = [
          pltpu.async_copy(bufs[bi], out_hbm.at[b, rows(i)], ssems[bi])
          for b in range(_BATCH)
      ]
    for lst in pending_scatters:
      for c in lst:
        c.wait()

  return broadcast_kernel


_sc_broadcast = _make_sc_broadcast()


@jax.jit
def kernel(x, pe_table):
  del x
  return _sc_broadcast(pe_table)

# --- scband reference (transcript-rebuilt; emitter-appended) ---
"""Pipeline reference for scband-positional-embedding-old-55473797595212 (READ-ONLY COPY).

The authoritative reference and input builder live on the scoring server;
editing this copy changes nothing except your own understanding.
"""

import jax, jax.numpy as jnp
import numpy as np

MAX_LEN = 8192
D_MODEL = 768
BATCH = 4


def setup_inputs(seed: int = 0) -> dict:
    key = jax.random.key(seed)
    k1, k2 = jax.random.split(key)
    x = jax.random.normal(k1, (BATCH, MAX_LEN, D_MODEL), dtype=jnp.float32)
    # learned positional embedding table, per init_kwargs {max_len, d_model}
    pe_table = jax.random.normal(k2, (MAX_LEN, D_MODEL), dtype=jnp.float32) * 0.02
    return {"x": x, "pe_table": pe_table}


def reference(x, pe_table):
    # Faithful translation of PositionalEmbeddingOld.call:
    #   batch = tf.shape(x)[0]
    #   position_indices = tf.range(max_len)[None, :] repeated over batch
    #   return Embedding(max_len, d_model)(position_indices)
    batch = x.shape[0]
    position_indices = jnp.arange(MAX_LEN, dtype=jnp.int32)
    position_indices = jnp.expand_dims(position_indices, axis=0)
    position_indices = jnp.repeat(position_indices, batch, axis=0)  # [B, max_len]
    out = jnp.take(pe_table, position_indices, axis=0)  # [B, max_len, d_model]
    return out

if __name__ == "__main__":
    import jax
    _d = setup_inputs()
    print(jax.jit(kernel)(*tuple(_d.values())))

</pallas_src>

<mosaic_0001>
#map = affine_map<(d0, d1) -> (0, 0)>
#map1 = affine_map<(d0, d1) -> (0, 0, 0)>
module attributes {stable_mosaic.version = 14 : i64} {
  func.func @broadcast_kernel(%arg0: i32, %arg1: i32, %arg2: memref<8192x768xf32, #tpu.memory_space<hbm>>, %arg3: memref<4x8192x768xf32, #tpu.memory_space<hbm>>, %arg4: memref<64x768xf32, #tpu.memory_space<vmem>>, %arg5: memref<64x768xf32, #tpu.memory_space<vmem>>, %arg6: memref<!tpu.dma_semaphore, #tpu.memory_space<semaphore_mem>>, %arg7: memref<!tpu.dma_semaphore, #tpu.memory_space<semaphore_mem>>, %arg8: memref<!tpu.dma_semaphore, #tpu.memory_space<semaphore_mem>>, %arg9: memref<!tpu.dma_semaphore, #tpu.memory_space<semaphore_mem>>) attributes {dimension_semantics = [#tpu.dimension_semantics<core_parallel>, #tpu.dimension_semantics<subcore_parallel>], iteration_bounds = array<i64: 2, 16>, scalar_prefetch = 0 : i64, scratch_operands = 6 : i64, tpu.core_type = #tpu.core_type<sc_vector_subcore>, window_params = [{transform_indices = #map}, {transform_indices = #map1}]} {
    %mul3A = arith.constant 2 : i32
    %mul3A_0 = arith.muli %arg1, %mul3A : i32
    %add3A = arith.addi %mul3A_0, %arg0 : i32
    %mul3A_1 = arith.constant 256 : i32
    %mul3A_2 = arith.muli %add3A, %mul3A_1 : i32
    %add3A_3 = arith.constant 0 : i32
    %add3A_4 = arith.addi %mul3A_2, %add3A_3 : i32
    %dma_start3A = arith.constant 0 : i32
    %dma_start3A_5 = tpu.memref_slice %arg2[%add3A_4, %dma_start3A] : memref<8192x768xf32, #tpu.memory_space<hbm>> -> memref<64x768xf32, #tpu.memory_space<hbm>>
    %dma_start3A_6 = arith.constant 0 : i32
    %dma_start3A_7 = tpu.memref_slice %arg2[%add3A_4, %dma_start3A_6] : memref<8192x768xf32, #tpu.memory_space<hbm>> -> memref<64x768xf32, #tpu.memory_space<hbm>>
    tpu.enqueue_dma source(%dma_start3A_7 : memref<64x768xf32, #tpu.memory_space<hbm>>) target(%arg4 : memref<64x768xf32, #tpu.memory_space<vmem>>) target_semaphore(%arg6 : memref<!tpu.dma_semaphore, #tpu.memory_space<semaphore_mem>>)
    %add3A_8 = arith.constant 64 : i32
    %add3A_9 = arith.addi %mul3A_2, %add3A_8 : i32
    %dma_start3A_10 = arith.constant 0 : i32
    %dma_start3A_11 = tpu.memref_slice %arg2[%add3A_9, %dma_start3A_10] : memref<8192x768xf32, #tpu.memory_space<hbm>> -> memref<64x768xf32, #tpu.memory_space<hbm>>
    %dma_start3A_12 = arith.constant 0 : i32
    %dma_start3A_13 = tpu.memref_slice %arg2[%add3A_9, %dma_start3A_12] : memref<8192x768xf32, #tpu.memory_space<hbm>> -> memref<64x768xf32, #tpu.memory_space<hbm>>
    tpu.enqueue_dma source(%dma_start3A_13 : memref<64x768xf32, #tpu.memory_space<hbm>>) target(%arg5 : memref<64x768xf32, #tpu.memory_space<vmem>>) target_semaphore(%arg7 : memref<!tpu.dma_semaphore, #tpu.memory_space<semaphore_mem>>)
    %dma_wait3A = arith.constant 0 : i32
    %dma_wait3A_14 = tpu.memref_slice %arg2[%add3A_4, %dma_wait3A] : memref<8192x768xf32, #tpu.memory_space<hbm>> -> memref<64x768xf32, #tpu.memory_space<hbm>>
    %dma_wait3A_15 = arith.constant 0 : i32
    %dma_wait3A_16 = tpu.memref_slice %arg2[%add3A_4, %dma_wait3A_15] : memref<8192x768xf32, #tpu.memory_space<hbm>> -> memref<64x768xf32, #tpu.memory_space<hbm>>
    tpu.wait_dma2 semaphore(%arg6 : memref<!tpu.dma_semaphore, #tpu.memory_space<semaphore_mem>>) src(%dma_wait3A_16 : memref<64x768xf32, #tpu.memory_space<hbm>>) dst(%arg4 : memref<64x768xf32, #tpu.memory_space<vmem>>)
    %add3A_17 = arith.constant 0 : i32
    %add3A_18 = arith.addi %mul3A_2, %add3A_17 : i32
    %dma_start3A_19 = arith.constant 0 : i32
    %dma_start3A_20 = arith.constant 0 : i32
    %dma_start3A_21 = tpu.memref_slice %arg3[%dma_start3A_19, %add3A_18, %dma_start3A_20] : memref<4x8192x768xf32, #tpu.memory_space<hbm>> -> memref<1x64x768xf32, #tpu.memory_space<hbm>>
    %dma_start3A_22 = tpu.memref_squeeze %dma_start3A_21 : memref<1x64x768xf32, #tpu.memory_space<hbm>> -> memref<64x768xf32, #tpu.memory_space<hbm>>
    %dma_start3A_23 = arith.constant 0 : i32
    %dma_start3A_24 = tpu.memref_slice %arg3[%dma_start3A_19, %add3A_18, %dma_start3A_23] : memref<4x8192x768xf32, #tpu.memory_space<hbm>> -> memref<1x64x768xf32, #tpu.memory_space<hbm>>
    %dma_start3A_25 = tpu.memref_squeeze %dma_start3A_24 : memref<1x64x768xf32, #tpu.memory_space<hbm>> -> memref<64x768xf32, #tpu.memory_space<hbm>>
    tpu.enqueue_dma source(%arg4 : memref<64x768xf32, #tpu.memory_space<vmem>>) target(%dma_start3A_25 : memref<64x768xf32, #tpu.memory_space<hbm>>) target_semaphore(%arg8 : memref<!tpu.dma_semaphore, #tpu.memory_space<semaphore_mem>>)
    %add3A_26 = arith.constant 0 : i32
    %add3A_27 = arith.addi %mul3A_2, %add3A_26 : i32
    %dma_start3A_28 = arith.constant 1 : i32
    %dma_start3A_29 = arith.constant 0 : i32
    %dma_start3A_30 = tpu.memref_slice %arg3[%dma_start3A_28, %add3A_27, %dma_start3A_29] : memref<4x8192x768xf32, #tpu.memory_space<hbm>> -> memref<1x64x768xf32, #tpu.memory_space<hbm>>
    %dma_start3A_31 = tpu.memref_squeeze %dma_start3A_30 : memref<1x64x768xf32, #tpu.memory_space<hbm>> -> memref<64x768xf32, #tpu.memory_space<hbm>>
    %dma_start3A_32 = arith.constant 0 : i32
    %dma_start3A_33 = tpu.memref_slice %arg3[%dma_start3A_28, %add3A_27, %dma_start3A_32] : memref<4x8192x768xf32, #tpu.memory_space<hbm>> -> memref<1x64x768xf32, #tpu.memory_space<hbm>>
    %dma_start3A_34 = tpu.memref_squeeze %dma_start3A_33 : memref<1x64x768xf32, #tpu.memory_space<hbm>> -> memref<64x768xf32, #tpu.memory_space<hbm>>
    tpu.enqueue_dma source(%arg4 : memref<64x768xf32, #tpu.memory_space<vmem>>) target(%dma_start3A_34 : memref<64x768xf32, #tpu.memory_space<hbm>>) target_semaphore(%arg8 : memref<!tpu.dma_semaphore, #tpu.memory_space<semaphore_mem>>)
    %add3A_35 = arith.constant 0 : i32
    %add3A_36 = arith.addi %mul3A_2, %add3A_35 : i32
    %dma_start3A_37 = arith.constant 2 : i32
    %dma_start3A_38 = arith.constant 0 : i32
    %dma_start3A_39 = tpu.memref_slice %arg3[%dma_start3A_37, %add3A_36, %dma_start3A_38] : memref<4x8192x768xf32, #tpu.memory_space<hbm>> -> memref<1x64x768xf32, #tpu.memory_space<hbm>>
    %dma_start3A_40 = tpu.memref_squeeze %dma_start3A_39 : memref<1x64x768xf32, #tpu.memory_space<hbm>> -> memref<64x768xf32, #tpu.memory_space<hbm>>
    %dma_start3A_41 = arith.constant 0 : i32
    %dma_start3A_42 = tpu.memref_slice %arg3[%dma_start3A_37, %add3A_36, %dma_start3A_41] : memref<4x8192x768xf32, #tpu.memory_space<hbm>> -> memref<1x64x768xf32, #tpu.memory_space<hbm>>
    %dma_start3A_43 = tpu.memref_squeeze %dma_start3A_42 : memref<1x64x768xf32, #tpu.memory_space<hbm>> -> memref<64x768xf32, #tpu.memory_space<hbm>>
    tpu.enqueue_dma source(%arg4 : memref<64x768xf32, #tpu.memory_space<vmem>>) target(%dma_start3A_43 : memref<64x768xf32, #tpu.memory_space<hbm>>) target_semaphore(%arg8 : memref<!tpu.dma_semaphore, #tpu.memory_space<semaphore_mem>>)
    %add3A_44 = arith.constant 0 : i32
    %add3A_45 = arith.addi %mul3A_2, %add3A_44 : i32
    %dma_start3A_46 = arith.constant 3 : i32
    %dma_start3A_47 = arith.constant 0 : i32
    %dma_start3A_48 = tpu.memref_slice %arg3[%dma_start3A_46, %add3A_45, %dma_start3A_47] : memref<4x8192x768xf32, #tpu.memory_space<hbm>> -> memref<1x64x768xf32, #tpu.memory_space<hbm>>
    %dma_start3A_49 = tpu.memref_squeeze %dma_start3A_48 : memref<1x64x768xf32, #tpu.memory_space<hbm>> -> memref<64x768xf32, #tpu.memory_space<hbm>>
    %dma_start3A_50 = arith.constant 0 : i32
    %dma_start3A_51 = tpu.memref_slice %arg3[%dma_start3A_46, %add3A_45, %dma_start3A_50] : memref<4x8192x768xf32, #tpu.memory_space<hbm>> -> memref<1x64x768xf32, #tpu.memory_space<hbm>>
    %dma_start3A_52 = tpu.memref_squeeze %dma_start3A_51 : memref<1x64x768xf32, #tpu.memory_space<hbm>> -> memref<64x768xf32, #tpu.memory_space<hbm>>
    tpu.enqueue_dma source(%arg4 : memref<64x768xf32, #tpu.memory_space<vmem>>) target(%dma_start3A_52 : memref<64x768xf32, #tpu.memory_space<hbm>>) target_semaphore(%arg8 : memref<!tpu.dma_semaphore, #tpu.memory_space<semaphore_mem>>)
    %dma_wait3A_53 = arith.constant 0 : i32
    %dma_wait3A_54 = arith.constant 0 : i32
    %dma_wait3A_55 = tpu.memref_slice %arg3[%dma_wait3A_53, %add3A_18, %dma_wait3A_54] : memref<4x8192x768xf32, #tpu.memory_space<hbm>> -> memref<1x64x768xf32, #tpu.memory_space<hbm>>
    %dma_wait3A_56 = tpu.memref_squeeze %dma_wait3A_55 : memref<1x64x768xf32, #tpu.memory_space<hbm>> -> memref<64x768xf32, #tpu.memory_space<hbm>>
    %dma_wait3A_57 = arith.constant 0 : i32
    %dma_wait3A_58 = tpu.memref_slice %arg3[%dma_wait3A_53, %add3A_18, %dma_wait3A_57] : memref<4x8192x768xf32, #tpu.memory_space<hbm>> -> memref<1x64x768xf32, #tpu.memory_space<hbm>>
    %dma_wait3A_59 = tpu.memref_squeeze %dma_wait3A_58 : memref<1x64x768xf32, #tpu.memory_space<hbm>> -> memref<64x768xf32, #tpu.memory_space<hbm>>
    tpu.wait_dma2 semaphore(%arg8 : memref<!tpu.dma_semaphore, #tpu.memory_space<semaphore_mem>>) src(%arg4 : memref<64x768xf32, #tpu.memory_space<vmem>>) dst(%dma_wait3A_59 : memref<64x768xf32, #tpu.memory_space<hbm>>)
    %dma_wait3A_60 = arith.constant 1 : i32
    %dma_wait3A_61 = arith.constant 0 : i32
    %dma_wait3A_62 = tpu.memref_slice %arg3[%dma_wait3A_60, %add3A_27, %dma_wait3A_61] : memref<4x8192x768xf32, #tpu.memory_space<hbm>> -> memref<1x64x768xf32, #tpu.memory_space<hbm>>
    %dma_wait3A_63 = tpu.memref_squeeze %dma_wait3A_62 : memref<1x64x768xf32, #tpu.memory_space<hbm>> -> memref<64x768xf32, #tpu.memory_space<hbm>>
    %dma_wait3A_64 = arith.constant 0 : i32
    %dma_wait3A_65 = tpu.memref_slice %arg3[%dma_wait3A_60, %add3A_27, %dma_wait3A_64] : memref<4x8192x768xf32, #tpu.memory_space<hbm>> -> memref<1x64x768xf32, #tpu.memory_space<hbm>>
    %dma_wait3A_66 = tpu.memref_squeeze %dma_wait3A_65 : memref<1x64x768xf32, #tpu.memory_space<hbm>> -> memref<64x768xf32, #tpu.memory_space<hbm>>
    tpu.wait_dma2 semaphore(%arg8 : memref<!tpu.dma_semaphore, #tpu.memory_space<semaphore_mem>>) src(%arg4 : memref<64x768xf32, #tpu.memory_space<vmem>>) dst(%dma_wait3A_66 : memref<64x768xf32, #tpu.memory_space<hbm>>)
    %dma_wait3A_67 = arith.constant 2 : i32
    %dma_wait3A_68 = arith.constant 0 : i32
    %dma_wait3A_69 = tpu.memref_slice %arg3[%dma_wait3A_67, %add3A_36, %dma_wait3A_68] : memref<4x8192x768xf32, #tpu.memory_space<hbm>> -> memref<1x64x768xf32, #tpu.memory_space<hbm>>
    %dma_wait3A_70 = tpu.memref_squeeze %dma_wait3A_69 : memref<1x64x768xf32, #tpu.memory_space<hbm>> -> memref<64x768xf32, #tpu.memory_space<hbm>>
    %dma_wait3A_71 = arith.constant 0 : i32
    %dma_wait3A_72 = tpu.memref_slice %arg3[%dma_wait3A_67, %add3A_36, %dma_wait3A_71] : memref<4x8192x768xf32, #tpu.memory_space<hbm>> -> memref<1x64x768xf32, #tpu.memory_space<hbm>>
    %dma_wait3A_73 = tpu.memref_squeeze %dma_wait3A_72 : memref<1x64x768xf32, #tpu.memory_space<hbm>> -> memref<64x768xf32, #tpu.memory_space<hbm>>
    tpu.wait_dma2 semaphore(%arg8 : memref<!tpu.dma_semaphore, #tpu.memory_space<semaphore_mem>>) src(%arg4 : memref<64x768xf32, #tpu.memory_space<vmem>>) dst(%dma_wait3A_73 : memref<64x768xf32, #tpu.memory_space<hbm>>)
    %dma_wait3A_74 = arith.constant 3 : i32
    %dma_wait3A_75 = arith.constant 0 : i32
    %dma_wait3A_76 = tpu.memref_slice %arg3[%dma_wait3A_74, %add3A_45, %dma_wait3A_75] : memref<4x8192x768xf32, #tpu.memory_space<hbm>> -> memref<1x64x768xf32, #tpu.memory_space<hbm>>
    %dma_wait3A_77 = tpu.memref_squeeze %dma_wait3A_76 : memref<1x64x768xf32, #tpu.memory_space<hbm>> -> memref<64x768xf32, #tpu.memory_space<hbm>>
    %dma_wait3A_78 = arith.constant 0 : i32
    %dma_wait3A_79 = tpu.memref_slice %arg3[%dma_wait3A_74, %add3A_45, %dma_wait3A_78] : memref<4x8192x768xf32, #tpu.memory_space<hbm>> -> memref<1x64x768xf32, #tpu.memory_space<hbm>>
    %dma_wait3A_80 = tpu.memref_squeeze %dma_wait3A_79 : memref<1x64x768xf32, #tpu.memory_space<hbm>> -> memref<64x768xf32, #tpu.memory_space<hbm>>
    tpu.wait_dma2 semaphore(%arg8 : memref<!tpu.dma_semaphore, #tpu.memory_space<semaphore_mem>>) src(%arg4 : memref<64x768xf32, #tpu.memory_space<vmem>>) dst(%dma_wait3A_80 : memref<64x768xf32, #tpu.memory_space<hbm>>)
    %add3A_81 = arith.constant 128 : i32
    %add3A_82 = arith.addi %mul3A_2, %add3A_81 : i32
    %dma_start3A_83 = arith.constant 0 : i32
    %dma_start3A_84 = tpu.memref_slice %arg2[%add3A_82, %dma_start3A_83] : memref<8192x768xf32, #tpu.memory_space<hbm>> -> memref<64x768xf32, #tpu.memory_space<hbm>>
    %dma_start3A_85 = arith.constant 0 : i32
    %dma_start3A_86 = tpu.memref_slice %arg2[%add3A_82, %dma_start3A_85] : memref<8192x768xf32, #tpu.memory_space<hbm>> -> memref<64x768xf32, #tpu.memory_space<hbm>>
    tpu.enqueue_dma source(%dma_start3A_86 : memref<64x768xf32, #tpu.memory_space<hbm>>) target(%arg4 : memref<64x768xf32, #tpu.memory_space<vmem>>) target_semaphore(%arg6 : memref<!tpu.dma_semaphore, #tpu.memory_space<semaphore_mem>>)
    %dma_wait3A_87 = arith.constant 0 : i32
    %dma_wait3A_88 = tpu.memref_slice %arg2[%add3A_9, %dma_wait3A_87] : memref<8192x768xf32, #tpu.memory_space<hbm>> -> memref<64x768xf32, #tpu.memory_space<hbm>>
    %dma_wait3A_89 = arith.constant 0 : i32
    %dma_wait3A_90 = tpu.memref_slice %arg2[%add3A_9, %dma_wait3A_89] : memref<8192x768xf32, #tpu.memory_space<hbm>> -> memref<64x768xf32, #tpu.memory_space<hbm>>
    tpu.wait_dma2 semaphore(%arg7 : memref<!tpu.dma_semaphore, #tpu.memory_space<semaphore_mem>>) src(%dma_wait3A_90 : memref<64x768xf32, #tpu.memory_space<hbm>>) dst(%arg5 : memref<64x768xf32, #tpu.memory_space<vmem>>)
    %add3A_91 = arith.constant 64 : i32
    %add3A_92 = arith.addi %mul3A_2, %add3A_91 : i32
    %dma_start3A_93 = arith.constant 0 : i32
    %dma_start3A_94 = arith.constant 0 : i32
    %dma_start3A_95 = tpu.memref_slice %arg3[%dma_start3A_93, %add3A_92, %dma_start3A_94] : memref<4x8192x768xf32, #tpu.memory_space<hbm>> -> memref<1x64x768xf32, #tpu.memory_space<hbm>>
    %dma_start3A_96 = tpu.memref_squeeze %dma_start3A_95 : memref<1x64x768xf32, #tpu.memory_space<hbm>> -> memref<64x768xf32, #tpu.memory_space<hbm>>
    %dma_start3A_97 = arith.constant 0 : i32
    %dma_start3A_98 = tpu.memref_slice %arg3[%dma_start3A_93, %add3A_92, %dma_start3A_97] : memref<4x8192x768xf32, #tpu.memory_space<hbm>> -> memref<1x64x768xf32, #tpu.memory_space<hbm>>
    %dma_start3A_99 = tpu.memref_squeeze %dma_start3A_98 : memref<1x64x768xf32, #tpu.memory_space<hbm>> -> memref<64x768xf32, #tpu.memory_space<hbm>>
    tpu.enqueue_dma source(%arg5 : memref<64x768xf32, #tpu.memory_space<vmem>>) target(%dma_start3A_99 : memref<64x768xf32, #tpu.memory_space<hbm>>) target_semaphore(%arg9 : memref<!tpu.dma_semaphore, #tpu.memory_space<semaphore_mem>>)
    %add3A_100 = arith.constant 64 : i32
    %add3A_101 = arith.addi %mul3A_2, %add3A_100 : i32
    %dma_start3A_102 = arith.constant 1 : i32
    %dma_start3A_103 = arith.constant 0 : i32
    %dma_start3A_104 = tpu.memref_slice %arg3[%dma_start3A_102, %add3A_101, %dma_start3A_103] : memref<4x8192x768xf32, #tpu.memory_space<hbm>> -> memref<1x64x768xf32, #tpu.memory_space<hbm>>
    %dma_start3A_105 = tpu.memref_squeeze %dma_start3A_104 : memref<1x64x768xf32, #tpu.memory_space<hbm>> -> memref<64x768xf32, #tpu.memory_space<hbm>>
    %dma_start3A_106 = arith.constant 0 : i32
    %dma_start3A_107 = tpu.memref_slice %arg3[%dma_start3A_102, %add3A_101, %dma_start3A_106] : memref<4x8192x768xf32, #tpu.memory_space<hbm>> -> memref<1x64x768xf32, #tpu.memory_space<hbm>>
    %dma_start3A_108 = tpu.memref_squeeze %dma_start3A_107 : memref<1x64x768xf32, #tpu.memory_space<hbm>> -> memref<64x768xf32, #tpu.memory_space<hbm>>
    tpu.enqueue_dma source(%arg5 : memref<64x768xf32, #tpu.memory_space<vmem>>) target(%dma_start3A_108 : memref<64x768xf32, #tpu.memory_space<hbm>>) target_semaphore(%arg9 : memref<!tpu.dma_semaphore, #tpu.memory_space<semaphore_mem>>)
    %add3A_109 = arith.constant 64 : i32
    %add3A_110 = arith.addi %mul3A_2, %add3A_109 : i32
    %dma_start3A_111 = arith.constant 2 : i32
    %dma_start3A_112 = arith.constant 0 : i32
    %dma_start3A_113 = tpu.memref_slice %arg3[%dma_start3A_111, %add3A_110, %dma_start3A_112] : memref<4x8192x768xf32, #tpu.memory_space<hbm>> -> memref<1x64x768xf32, #tpu.memory_space<hbm>>
    %dma_start3A_114 = tpu.memref_squeeze %dma_start3A_113 : memref<1x64x768xf32, #tpu.memory_space<hbm>> -> memref<64x768xf32, #tpu.memory_space<hbm>>
    %dma_start3A_115 = arith.constant 0 : i32
    %dma_start3A_116 = tpu.memref_slice %arg3[%dma_start3A_111, %add3A_110, %dma_start3A_115] : memref<4x8192x768xf32, #tpu.memory_space<hbm>> -> memref<1x64x768xf32, #tpu.memory_space<hbm>>
    %dma_start3A_117 = tpu.memref_squeeze %dma_start3A_116 : memref<1x64x768xf32, #tpu.memory_space<hbm>> -> memref<64x768xf32, #tpu.memory_space<hbm>>
    tpu.enqueue_dma source(%arg5 : memref<64x768xf32, #tpu.memory_space<vmem>>) target(%dma_start3A_117 : memref<64x768xf32, #tpu.memory_space<hbm>>) target_semaphore(%arg9 : memref<!tpu.dma_semaphore, #tpu.memory_space<semaphore_mem>>)
    %add3A_118 = arith.constant 64 : i32
    %add3A_119 = arith.addi %mul3A_2, %add3A_118 : i32
    %dma_start3A_120 = arith.constant 3 : i32
    %dma_start3A_121 = arith.constant 0 : i32
    %dma_start3A_122 = tpu.memref_slice %arg3[%dma_start3A_120, %add3A_119, %dma_start3A_121] : memref<4x8192x768xf32, #tpu.memory_space<hbm>> -> memref<1x64x768xf32, #tpu.memory_space<hbm>>
    %dma_start3A_123 = tpu.memref_squeeze %dma_start3A_122 : memref<1x64x768xf32, #tpu.memory_space<hbm>> -> memref<64x768xf32, #tpu.memory_space<hbm>>
    %dma_start3A_124 = arith.constant 0 : i32
    %dma_start3A_125 = tpu.memref_slice %arg3[%dma_start3A_120, %add3A_119, %dma_start3A_124] : memref<4x8192x768xf32, #tpu.memory_space<hbm>> -> memref<1x64x768xf32, #tpu.memory_space<hbm>>
    %dma_start3A_126 = tpu.memref_squeeze %dma_start3A_125 : memref<1x64x768xf32, #tpu.memory_space<hbm>> -> memref<64x768xf32, #tpu.memory_space<hbm>>
    tpu.enqueue_dma source(%arg5 : memref<64x768xf32, #tpu.memory_space<vmem>>) target(%dma_start3A_126 : memref<64x768xf32, #tpu.memory_space<hbm>>) target_semaphore(%arg9 : memref<!tpu.dma_semaphore, #tpu.memory_space<semaphore_mem>>)
    %dma_wait3A_127 = arith.constant 0 : i32
    %dma_wait3A_128 = arith.constant 0 : i32
    %dma_wait3A_129 = tpu.memref_slice %arg3[%dma_wait3A_127, %add3A_92, %dma_wait3A_128] : memref<4x8192x768xf32, #tpu.memory_space<hbm>> -> memref<1x64x768xf32, #tpu.memory_space<hbm>>
    %dma_wait3A_130 = tpu.memref_squeeze %dma_wait3A_129 : memref<1x64x768xf32, #tpu.memory_space<hbm>> -> memref<64x768xf32, #tpu.memory_space<hbm>>
    %dma_wait3A_131 = arith.constant 0 : i32
    %dma_wait3A_132 = tpu.memref_slice %arg3[%dma_wait3A_127, %add3A_92, %dma_wait3A_131] : memref<4x8192x768xf32, #tpu.memory_space<hbm>> -> memref<1x64x768xf32, #tpu.memory_space<hbm>>
    %dma_wait3A_133 = tpu.memref_squeeze %dma_wait3A_132 : memref<1x64x768xf32, #tpu.memory_space<hbm>> -> memref<64x768xf32, #tpu.memory_space<hbm>>
    tpu.wait_dma2 semaphore(%arg9 : memref<!tpu.dma_semaphore, #tpu.memory_space<semaphore_mem>>) src(%arg5 : memref<64x768xf32, #tpu.memory_space<vmem>>) dst(%dma_wait3A_133 : memref<64x768xf32, #tpu.memory_space<hbm>>)
    %dma_wait3A_134 = arith.constant 1 : i32
    %dma_wait3A_135 = arith.constant 0 : i32
    %dma_wait3A_136 = tpu.memref_slice %arg3[%dma_wait3A_134, %add3A_101, %dma_wait3A_135] : memref<4x8192x768xf32, #tpu.memory_space<hbm>> -> memref<1x64x768xf32, #tpu.memory_space<hbm>>
    %dma_wait3A_137 = tpu.memref_squeeze %dma_wait3A_136 : memref<1x64x768xf32, #tpu.memory_space<hbm>> -> memref<64x768xf32, #tpu.memory_space<hbm>>
    %dma_wait3A_138 = arith.constant 0 : i32
    %dma_wait3A_139 = tpu.memref_slice %arg3[%dma_wait3A_134, %add3A_101, %dma_wait3A_138] : memref<4x8192x768xf32, #tpu.memory_space<hbm>> -> memref<1x64x768xf32, #tpu.memory_space<hbm>>
    %dma_wait3A_140 = tpu.memref_squeeze %dma_wait3A_139 : memref<1x64x768xf32, #tpu.memory_space<hbm>> -> memref<64x768xf32, #tpu.memory_space<hbm>>
    tpu.wait_dma2 semaphore(%arg9 : memref<!tpu.dma_semaphore, #tpu.memory_space<semaphore_mem>>) src(%arg5 : memref<64x768xf32, #tpu.memory_space<vmem>>) dst(%dma_wait3A_140 : memref<64x768xf32, #tpu.memory_space<hbm>>)
    %dma_wait3A_141 = arith.constant 2 : i32
    %dma_wait3A_142 = arith.constant 0 : i32
    %dma_wait3A_143 = tpu.memref_slice %arg3[%dma_wait3A_141, %add3A_110, %dma_wait3A_142] : memref<4x8192x768xf32, #tpu.memory_space<hbm>> -> memref<1x64x768xf32, #tpu.memory_space<hbm>>
    %dma_wait3A_144 = tpu.memref_squeeze %dma_wait3A_143 : memref<1x64x768xf32, #tpu.memory_space<hbm>> -> memref<64x768xf32, #tpu.memory_space<hbm>>
    %dma_wait3A_145 = arith.constant 0 : i32
    %dma_wait3A_146 = tpu.memref_slice %arg3[%dma_wait3A_141, %add3A_110, %dma_wait3A_145] : memref<4x8192x768xf32, #tpu.memory_space<hbm>> -> memref<1x64x768xf32, #tpu.memory_space<hbm>>
    %dma_wait3A_147 = tpu.memref_squeeze %dma_wait3A_146 : memref<1x64x768xf32, #tpu.memory_space<hbm>> -> memref<64x768xf32, #tpu.memory_space<hbm>>
    tpu.wait_dma2 semaphore(%arg9 : memref<!tpu.dma_semaphore, #tpu.memory_space<semaphore_mem>>) src(%arg5 : memref<64x768xf32, #tpu.memory_space<vmem>>) dst(%dma_wait3A_147 : memref<64x768xf32, #tpu.memory_space<hbm>>)
    %dma_wait3A_148 = arith.constant 3 : i32
    %dma_wait3A_149 = arith.constant 0 : i32
    %dma_wait3A_150 = tpu.memref_slice %arg3[%dma_wait3A_148, %add3A_119, %dma_wait3A_149] : memref<4x8192x768xf32, #tpu.memory_space<hbm>> -> memref<1x64x768xf32, #tpu.memory_space<hbm>>
    %dma_wait3A_151 = tpu.memref_squeeze %dma_wait3A_150 : memref<1x64x768xf32, #tpu.memory_space<hbm>> -> memref<64x768xf32, #tpu.memory_space<hbm>>
    %dma_wait3A_152 = arith.constant 0 : i32
    %dma_wait3A_153 = tpu.memref_slice %arg3[%dma_wait3A_148, %add3A_119, %dma_wait3A_152] : memref<4x8192x768xf32, #tpu.memory_space<hbm>> -> memref<1x64x768xf32, #tpu.memory_space<hbm>>
    %dma_wait3A_154 = tpu.memref_squeeze %dma_wait3A_153 : memref<1x64x768xf32, #tpu.memory_space<hbm>> -> memref<64x768xf32, #tpu.memory_space<hbm>>
    tpu.wait_dma2 semaphore(%arg9 : memref<!tpu.dma_semaphore, #tpu.memory_space<semaphore_mem>>) src(%arg5 : memref<64x768xf32, #tpu.memory_space<vmem>>) dst(%dma_wait3A_154 : memref<64x768xf32, #tpu.memory_space<hbm>>)
    %add3A_155 = arith.constant 192 : i32
    %add3A_156 = arith.addi %mul3A_2, %add3A_155 : i32
    %dma_start3A_157 = arith.constant 0 : i32
    %dma_start3A_158 = tpu.memref_slice %arg2[%add3A_156, %dma_start3A_157] : memref<8192x768xf32, #tpu.memory_space<hbm>> -> memref<64x768xf32, #tpu.memory_space<hbm>>
    %dma_start3A_159 = arith.constant 0 : i32
    %dma_start3A_160 = tpu.memref_slice %arg2[%add3A_156, %dma_start3A_159] : memref<8192x768xf32, #tpu.memory_space<hbm>> -> memref<64x768xf32, #tpu.memory_space<hbm>>
    tpu.enqueue_dma source(%dma_start3A_160 : memref<64x768xf32, #tpu.memory_space<hbm>>) target(%arg5 : memref<64x768xf32, #tpu.memory_space<vmem>>) target_semaphore(%arg7 : memref<!tpu.dma_semaphore, #tpu.memory_space<semaphore_mem>>)
    %dma_wait3A_161 = arith.constant 0 : i32
    %dma_wait3A_162 = tpu.memref_slice %arg2[%add3A_82, %dma_wait3A_161] : memref<8192x768xf32, #tpu.memory_space<hbm>> -> memref<64x768xf32, #tpu.memory_space<hbm>>
    %dma_wait3A_163 = arith.constant 0 : i32
    %dma_wait3A_164 = tpu.memref_slice %arg2[%add3A_82, %dma_wait3A_163] : memref<8192x768xf32, #tpu.memory_space<hbm>> -> memref<64x768xf32, #tpu.memory_space<hbm>>
    tpu.wait_dma2 semaphore(%arg6 : memref<!tpu.dma_semaphore, #tpu.memory_space<semaphore_mem>>) src(%dma_wait3A_164 : memref<64x768xf32, #tpu.memory_space<hbm>>) dst(%arg4 : memref<64x768xf32, #tpu.memory_space<vmem>>)
    %add3A_165 = arith.constant 128 : i32
    %add3A_166 = arith.addi %mul3A_2, %add3A_165 : i32
    %dma_start3A_167 = arith.constant 0 : i32
    %dma_start3A_168 = arith.constant 0 : i32
    %dma_start3A_169 = tpu.memref_slice %arg3[%dma_start3A_167, %add3A_166, %dma_start3A_168] : memref<4x8192x768xf32, #tpu.memory_space<hbm>> -> memref<1x64x768xf32, #tpu.memory_space<hbm>>
    %dma_start3A_170 = tpu.memref_squeeze %dma_start3A_169 : memref<1x64x768xf32, #tpu.memory_space<hbm>> -> memref<64x768xf32, #tpu.memory_space<hbm>>
    %dma_start3A_171 = arith.constant 0 : i32
    %dma_start3A_172 = tpu.memref_slice %arg3[%dma_start3A_167, %add3A_166, %dma_start3A_171] : memref<4x8192x768xf32, #tpu.memory_space<hbm>> -> memref<1x64x768xf32, #tpu.memory_space<hbm>>
    %dma_start3A_173 = tpu.memref_squeeze %dma_start3A_172 : memref<1x64x768xf32, #tpu.memory_space<hbm>> -> memref<64x768xf32, #tpu.memory_space<hbm>>
    tpu.enqueue_dma source(%arg4 : memref<64x768xf32, #tpu.memory_space<vmem>>) target(%dma_start3A_173 : memref<64x768xf32, #tpu.memory_space<hbm>>) target_semaphore(%arg8 : memref<!tpu.dma_semaphore, #tpu.memory_space<semaphore_mem>>)
    %add3A_174 = arith.constant 128 : i32
    %add3A_175 = arith.addi %mul3A_2, %add3A_174 : i32
    %dma_start3A_176 = arith.constant 1 : i32
    %dma_start3A_177 = arith.constant 0 : i32
    %dma_start3A_178 = tpu.memref_slice %arg3[%dma_start3A_176, %add3A_175, %dma_start3A_177] : memref<4x8192x768xf32, #tpu.memory_space<hbm>> -> memref<1x64x768xf32, #tpu.memory_space<hbm>>
    %dma_start3A_179 = tpu.memref_squeeze %dma_start3A_178 : memref<1x64x768xf32, #tpu.memory_space<hbm>> -> memref<64x768xf32, #tpu.memory_space<hbm>>
    %dma_start3A_180 = arith.constant 0 : i32
    %dma_start3A_181 = tpu.memref_slice %arg3[%dma_start3A_176, %add3A_175, %dma_start3A_180] : memref<4x8192x768xf32, #tpu.memory_space<hbm>> -> memref<1x64x768xf32, #tpu.memory_space<hbm>>
    %dma_start3A_182 = tpu.memref_squeeze %dma_start3A_181 : memref<1x64x768xf32, #tpu.memory_space<hbm>> -> memref<64x768xf32, #tpu.memory_space<hbm>>
    tpu.enqueue_dma source(%arg4 : memref<64x768xf32, #tpu.memory_space<vmem>>) target(%dma_start3A_182 : memref<64x768xf32, #tpu.memory_space<hbm>>) target_semaphore(%arg8 : memref<!tpu.dma_semaphore, #tpu.memory_space<semaphore_mem>>)
    %add3A_183 = arith.constant 128 : i32
    %add3A_184 = arith.addi %mul3A_2, %add3A_183 : i32
    %dma_start3A_185 = arith.constant 2 : i32
    %dma_start3A_186 = arith.constant 0 : i32
    %dma_start3A_187 = tpu.memref_slice %arg3[%dma_start3A_185, %add3A_184, %dma_start3A_186] : memref<4x8192x768xf32, #tpu.memory_space<hbm>> -> memref<1x64x768xf32, #tpu.memory_space<hbm>>
    %dma_start3A_188 = tpu.memref_squeeze %dma_start3A_187 : memref<1x64x768xf32, #tpu.memory_space<hbm>> -> memref<64x768xf32, #tpu.memory_space<hbm>>
    %dma_start3A_189 = arith.constant 0 : i32
    %dma_start3A_190 = tpu.memref_slice %arg3[%dma_start3A_185, %add3A_184, %dma_start3A_189] : memref<4x8192x768xf32, #tpu.memory_space<hbm>> -> memref<1x64x768xf32, #tpu.memory_space<hbm>>
    %dma_start3A_191 = tpu.memref_squeeze %dma_start3A_190 : memref<1x64x768xf32, #tpu.memory_space<hbm>> -> memref<64x768xf32, #tpu.memory_space<hbm>>
    tpu.enqueue_dma source(%arg4 : memref<64x768xf32, #tpu.memory_space<vmem>>) target(%dma_start3A_191 : memref<64x768xf32, #tpu.memory_space<hbm>>) target_semaphore(%arg8 : memref<!tpu.dma_semaphore, #tpu.memory_space<semaphore_mem>>)
    %add3A_192 = arith.constant 128 : i32
    %add3A_193 = arith.addi %mul3A_2, %add3A_192 : i32
    %dma_start3A_194 = arith.constant 3 : i32
    %dma_start3A_195 = arith.constant 0 : i32
    %dma_start3A_196 = tpu.memref_slice %arg3[%dma_start3A_194, %add3A_193, %dma_start3A_195] : memref<4x8192x768xf32, #tpu.memory_space<hbm>> -> memref<1x64x768xf32, #tpu.memory_space<hbm>>
    %dma_start3A_197 = tpu.memref_squeeze %dma_start3A_196 : memref<1x64x768xf32, #tpu.memory_space<hbm>> -> memref<64x768xf32, #tpu.memory_space<hbm>>
    %dma_start3A_198 = arith.constant 0 : i32
    %dma_start3A_199 = tpu.memref_slice %arg3[%dma_start3A_194, %add3A_193, %dma_start3A_198] : memref<4x8192x768xf32, #tpu.memory_space<hbm>> -> memref<1x64x768xf32, #tpu.memory_space<hbm>>
    %dma_start3A_200 = tpu.memref_squeeze %dma_start3A_199 : memref<1x64x768xf32, #tpu.memory_space<hbm>> -> memref<64x768xf32, #tpu.memory_space<hbm>>
    tpu.enqueue_dma source(%arg4 : memref<64x768xf32, #tpu.memory_space<vmem>>) target(%dma_start3A_200 : memref<64x768xf32, #tpu.memory_space<hbm>>) target_semaphore(%arg8 : memref<!tpu.dma_semaphore, #tpu.memory_space<semaphore_mem>>)
    %dma_wait3A_201 = arith.constant 0 : i32
    %dma_wait3A_202 = tpu.memref_slice %arg2[%add3A_156, %dma_wait3A_201] : memref<8192x768xf32, #tpu.memory_space<hbm>> -> memref<64x768xf32, #tpu.memory_space<hbm>>
    %dma_wait3A_203 = arith.constant 0 : i32
    %dma_wait3A_204 = tpu.memref_slice %arg2[%add3A_156, %dma_wait3A_203] : memref<8192x768xf32, #tpu.memory_space<hbm>> -> memref<64x768xf32, #tpu.memory_space<hbm>>
    tpu.wait_dma2 semaphore(%arg7 : memref<!tpu.dma_semaphore, #tpu.memory_space<semaphore_mem>>) src(%dma_wait3A_204 : memref<64x768xf32, #tpu.memory_space<hbm>>) dst(%arg5 : memref<64x768xf32, #tpu.memory_space<vmem>>)
    %add3A_205 = arith.constant 192 : i32
    %add3A_206 = arith.addi %mul3A_2, %add3A_205 : i32
    %dma_start3A_207 = arith.constant 0 : i32
    %dma_start3A_208 = arith.constant 0 : i32
    %dma_start3A_209 = tpu.memref_slice %arg3[%dma_start3A_207, %add3A_206, %dma_start3A_208] : memref<4x8192x768xf32, #tpu.memory_space<hbm>> -> memref<1x64x768xf32, #tpu.memory_space<hbm>>
    %dma_start3A_210 = tpu.memref_squeeze %dma_start3A_209 : memref<1x64x768xf32, #tpu.memory_space<hbm>> -> memref<64x768xf32, #tpu.memory_space<hbm>>
    %dma_start3A_211 = arith.constant 0 : i32
    %dma_start3A_212 = tpu.memref_slice %arg3[%dma_start3A_207, %add3A_206, %dma_start3A_211] : memref<4x8192x768xf32, #tpu.memory_space<hbm>> -> memref<1x64x768xf32, #tpu.memory_space<hbm>>
    %dma_start3A_213 = tpu.memref_squeeze %dma_start3A_212 : memref<1x64x768xf32, #tpu.memory_space<hbm>> -> memref<64x768xf32, #tpu.memory_space<hbm>>
    tpu.enqueue_dma source(%arg5 : memref<64x768xf32, #tpu.memory_space<vmem>>) target(%dma_start3A_213 : memref<64x768xf32, #tpu.memory_space<hbm>>) target_semaphore(%arg9 : memref<!tpu.dma_semaphore, #tpu.memory_space<semaphore_mem>>)
    %add3A_214 = arith.constant 192 : i32
    %add3A_215 = arith.addi %mul3A_2, %add3A_214 : i32
    %dma_start3A_216 = arith.constant 1 : i32
    %dma_start3A_217 = arith.constant 0 : i32
    %dma_start3A_218 = tpu.memref_slice %arg3[%dma_start3A_216, %add3A_215, %dma_start3A_217] : memref<4x8192x768xf32, #tpu.memory_space<hbm>> -> memref<1x64x768xf32, #tpu.memory_space<hbm>>
    %dma_start3A_219 = tpu.memref_squeeze %dma_start3A_218 : memref<1x64x768xf32, #tpu.memory_space<hbm>> -> memref<64x768xf32, #tpu.memory_space<hbm>>
    %dma_start3A_220 = arith.constant 0 : i32
    %dma_start3A_221 = tpu.memref_slice %arg3[%dma_start3A_216, %add3A_215, %dma_start3A_220] : memref<4x8192x768xf32, #tpu.memory_space<hbm>> -> memref<1x64x768xf32, #tpu.memory_space<hbm>>
    %dma_start3A_222 = tpu.memref_squeeze %dma_start3A_221 : memref<1x64x768xf32, #tpu.memory_space<hbm>> -> memref<64x768xf32, #tpu.memory_space<hbm>>
    tpu.enqueue_dma source(%arg5 : memref<64x768xf32, #tpu.memory_space<vmem>>) target(%dma_start3A_222 : memref<64x768xf32, #tpu.memory_space<hbm>>) target_semaphore(%arg9 : memref<!tpu.dma_semaphore, #tpu.memory_space<semaphore_mem>>)
    %add3A_223 = arith.constant 192 : i32
    %add3A_224 = arith.addi %mul3A_2, %add3A_223 : i32
    %dma_start3A_225 = arith.constant 2 : i32
    %dma_start3A_226 = arith.constant 0 : i32
    %dma_start3A_227 = tpu.memref_slice %arg3[%dma_start3A_225, %add3A_224, %dma_start3A_226] : memref<4x8192x768xf32, #tpu.memory_space<hbm>> -> memref<1x64x768xf32, #tpu.memory_space<hbm>>
    %dma_start3A_228 = tpu.memref_squeeze %dma_start3A_227 : memref<1x64x768xf32, #tpu.memory_space<hbm>> -> memref<64x768xf32, #tpu.memory_space<hbm>>
    %dma_start3A_229 = arith.constant 0 : i32
    %dma_start3A_230 = tpu.memref_slice %arg3[%dma_start3A_225, %add3A_224, %dma_start3A_229] : memref<4x8192x768xf32, #tpu.memory_space<hbm>> -> memref<1x64x768xf32, #tpu.memory_space<hbm>>
    %dma_start3A_231 = tpu.memref_squeeze %dma_start3A_230 : memref<1x64x768xf32, #tpu.memory_space<hbm>> -> memref<64x768xf32, #tpu.memory_space<hbm>>
    tpu.enqueue_dma source(%arg5 : memref<64x768xf32, #tpu.memory_space<vmem>>) target(%dma_start3A_231 : memref<64x768xf32, #tpu.memory_space<hbm>>) target_semaphore(%arg9 : memref<!tpu.dma_semaphore, #tpu.memory_space<semaphore_mem>>)
    %add3A_232 = arith.constant 192 : i32
    %add3A_233 = arith.addi %mul3A_2, %add3A_232 : i32
    %dma_start3A_234 = arith.constant 3 : i32
    %dma_start3A_235 = arith.constant 0 : i32
    %dma_start3A_236 = tpu.memref_slice %arg3[%dma_start3A_234, %add3A_233, %dma_start3A_235] : memref<4x8192x768xf32, #tpu.memory_space<hbm>> -> memref<1x64x768xf32, #tpu.memory_space<hbm>>
    %dma_start3A_237 = tpu.memref_squeeze %dma_start3A_236 : memref<1x64x768xf32, #tpu.memory_space<hbm>> -> memref<64x768xf32, #tpu.memory_space<hbm>>
    %dma_start3A_238 = arith.constant 0 : i32
    %dma_start3A_239 = tpu.memref_slice %arg3[%dma_start3A_234, %add3A_233, %dma_start3A_238] : memref<4x8192x768xf32, #tpu.memory_space<hbm>> -> memref<1x64x768xf32, #tpu.memory_space<hbm>>
    %dma_start3A_240 = tpu.memref_squeeze %dma_start3A_239 : memref<1x64x768xf32, #tpu.memory_space<hbm>> -> memref<64x768xf32, #tpu.memory_space<hbm>>
    tpu.enqueue_dma source(%arg5 : memref<64x768xf32, #tpu.memory_space<vmem>>) target(%dma_start3A_240 : memref<64x768xf32, #tpu.memory_space<hbm>>) target_semaphore(%arg9 : memref<!tpu.dma_semaphore, #tpu.memory_space<semaphore_mem>>)
    %dma_wait3A_241 = arith.constant 0 : i32
    %dma_wait3A_242 = arith.constant 0 : i32
    %dma_wait3A_243 = tpu.memref_slice %arg3[%dma_wait3A_241, %add3A_166, %dma_wait3A_242] : memref<4x8192x768xf32, #tpu.memory_space<hbm>> -> memref<1x64x768xf32, #tpu.memory_space<hbm>>
    %dma_wait3A_244 = tpu.memref_squeeze %dma_wait3A_243 : memref<1x64x768xf32, #tpu.memory_space<hbm>> -> memref<64x768xf32, #tpu.memory_space<hbm>>
    %dma_wait3A_245 = arith.constant 0 : i32
    %dma_wait3A_246 = tpu.memref_slice %arg3[%dma_wait3A_241, %add3A_166, %dma_wait3A_245] : memref<4x8192x768xf32, #tpu.memory_space<hbm>> -> memref<1x64x768xf32, #tpu.memory_space<hbm>>
    %dma_wait3A_247 = tpu.memref_squeeze %dma_wait3A_246 : memref<1x64x768xf32, #tpu.memory_space<hbm>> -> memref<64x768xf32, #tpu.memory_space<hbm>>
    tpu.wait_dma2 semaphore(%arg8 : memref<!tpu.dma_semaphore, #tpu.memory_space<semaphore_mem>>) src(%arg4 : memref<64x768xf32, #tpu.memory_space<vmem>>) dst(%dma_wait3A_247 : memref<64x768xf32, #tpu.memory_space<hbm>>)
    %dma_wait3A_248 = arith.constant 1 : i32
    %dma_wait3A_249 = arith.constant 0 : i32
    %dma_wait3A_250 = tpu.memref_slice %arg3[%dma_wait3A_248, %add3A_175, %dma_wait3A_249] : memref<4x8192x768xf32, #tpu.memory_space<hbm>> -> memref<1x64x768xf32, #tpu.memory_space<hbm>>
    %dma_wait3A_251 = tpu.memref_squeeze %dma_wait3A_250 : memref<1x64x768xf32, #tpu.memory_space<hbm>> -> memref<64x768xf32, #tpu.memory_space<hbm>>
    %dma_wait3A_252 = arith.constant 0 : i32
    %dma_wait3A_253 = tpu.memref_slice %arg3[%dma_wait3A_248, %add3A_175, %dma_wait3A_252] : memref<4x8192x768xf32, #tpu.memory_space<hbm>> -> memref<1x64x768xf32, #tpu.memory_space<hbm>>
    %dma_wait3A_254 = tpu.memref_squeeze %dma_wait3A_253 : memref<1x64x768xf32, #tpu.memory_space<hbm>> -> memref<64x768xf32, #tpu.memory_space<hbm>>
    tpu.wait_dma2 semaphore(%arg8 : memref<!tpu.dma_semaphore, #tpu.memory_space<semaphore_mem>>) src(%arg4 : memref<64x768xf32, #tpu.memory_space<vmem>>) dst(%dma_wait3A_254 : memref<64x768xf32, #tpu.memory_space<hbm>>)
    %dma_wait3A_255 = arith.constant 2 : i32
    %dma_wait3A_256 = arith.constant 0 : i32
    %dma_wait3A_257 = tpu.memref_slice %arg3[%dma_wait3A_255, %add3A_184, %dma_wait3A_256] : memref<4x8192x768xf32, #tpu.memory_space<hbm>> -> memref<1x64x768xf32, #tpu.memory_space<hbm>>
    %dma_wait3A_258 = tpu.memref_squeeze %dma_wait3A_257 : memref<1x64x768xf32, #tpu.memory_space<hbm>> -> memref<64x768xf32, #tpu.memory_space<hbm>>
    %dma_wait3A_259 = arith.constant 0 : i32
    %dma_wait3A_260 = tpu.memref_slice %arg3[%dma_wait3A_255, %add3A_184, %dma_wait3A_259] : memref<4x8192x768xf32, #tpu.memory_space<hbm>> -> memref<1x64x768xf32, #tpu.memory_space<hbm>>
    %dma_wait3A_261 = tpu.memref_squeeze %dma_wait3A_260 : memref<1x64x768xf32, #tpu.memory_space<hbm>> -> memref<64x768xf32, #tpu.memory_space<hbm>>
    tpu.wait_dma2 semaphore(%arg8 : memref<!tpu.dma_semaphore, #tpu.memory_space<semaphore_mem>>) src(%arg4 : memref<64x768xf32, #tpu.memory_space<vmem>>) dst(%dma_wait3A_261 : memref<64x768xf32, #tpu.memory_space<hbm>>)
    %dma_wait3A_262 = arith.constant 3 : i32
    %dma_wait3A_263 = arith.constant 0 : i32
    %dma_wait3A_264 = tpu.memref_slice %arg3[%dma_wait3A_262, %add3A_193, %dma_wait3A_263] : memref<4x8192x768xf32, #tpu.memory_space<hbm>> -> memref<1x64x768xf32, #tpu.memory_space<hbm>>
    %dma_wait3A_265 = tpu.memref_squeeze %dma_wait3A_264 : memref<1x64x768xf32, #tpu.memory_space<hbm>> -> memref<64x768xf32, #tpu.memory_space<hbm>>
    %dma_wait3A_266 = arith.constant 0 : i32
    %dma_wait3A_267 = tpu.memref_slice %arg3[%dma_wait3A_262, %add3A_193, %dma_wait3A_266] : memref<4x8192x768xf32, #tpu.memory_space<hbm>> -> memref<1x64x768xf32, #tpu.memory_space<hbm>>
    %dma_wait3A_268 = tpu.memref_squeeze %dma_wait3A_267 : memref<1x64x768xf32, #tpu.memory_space<hbm>> -> memref<64x768xf32, #tpu.memory_space<hbm>>
    tpu.wait_dma2 semaphore(%arg8 : memref<!tpu.dma_semaphore, #tpu.memory_space<semaphore_mem>>) src(%arg4 : memref<64x768xf32, #tpu.memory_space<vmem>>) dst(%dma_wait3A_268 : memref<64x768xf32, #tpu.memory_space<hbm>>)
    %dma_wait3A_269 = arith.constant 0 : i32
    %dma_wait3A_270 = arith.constant 0 : i32
    %dma_wait3A_271 = tpu.memref_slice %arg3[%dma_wait3A_269, %add3A_206, %dma_wait3A_270] : memref<4x8192x768xf32, #tpu.memory_space<hbm>> -> memref<1x64x768xf32, #tpu.memory_space<hbm>>
    %dma_wait3A_272 = tpu.memref_squeeze %dma_wait3A_271 : memref<1x64x768xf32, #tpu.memory_space<hbm>> -> memref<64x768xf32, #tpu.memory_space<hbm>>
    %dma_wait3A_273 = arith.constant 0 : i32
    %dma_wait3A_274 = tpu.memref_slice %arg3[%dma_wait3A_269, %add3A_206, %dma_wait3A_273] : memref<4x8192x768xf32, #tpu.memory_space<hbm>> -> memref<1x64x768xf32, #tpu.memory_space<hbm>>
    %dma_wait3A_275 = tpu.memref_squeeze %dma_wait3A_274 : memref<1x64x768xf32, #tpu.memory_space<hbm>> -> memref<64x768xf32, #tpu.memory_space<hbm>>
    tpu.wait_dma2 semaphore(%arg9 : memref<!tpu.dma_semaphore, #tpu.memory_space<semaphore_mem>>) src(%arg5 : memref<64x768xf32, #tpu.memory_space<vmem>>) dst(%dma_wait3A_275 : memref<64x768xf32, #tpu.memory_space<hbm>>)
    %dma_wait3A_276 = arith.constant 1 : i32
    %dma_wait3A_277 = arith.constant 0 : i32
    %dma_wait3A_278 = tpu.memref_slice %arg3[%dma_wait3A_276, %add3A_215, %dma_wait3A_277] : memref<4x8192x768xf32, #tpu.memory_space<hbm>> -> memref<1x64x768xf32, #tpu.memory_space<hbm>>
    %dma_wait3A_279 = tpu.memref_squeeze %dma_wait3A_278 : memref<1x64x768xf32, #tpu.memory_space<hbm>> -> memref<64x768xf32, #tpu.memory_space<hbm>>
    %dma_wait3A_280 = arith.constant 0 : i32
    %dma_wait3A_281 = tpu.memref_slice %arg3[%dma_wait3A_276, %add3A_215, %dma_wait3A_280] : memref<4x8192x768xf32, #tpu.memory_space<hbm>> -> memref<1x64x768xf32, #tpu.memory_space<hbm>>
    %dma_wait3A_282 = tpu.memref_squeeze %dma_wait3A_281 : memref<1x64x768xf32, #tpu.memory_space<hbm>> -> memref<64x768xf32, #tpu.memory_space<hbm>>
    tpu.wait_dma2 semaphore(%arg9 : memref<!tpu.dma_semaphore, #tpu.memory_space<semaphore_mem>>) src(%arg5 : memref<64x768xf32, #tpu.memory_space<vmem>>) dst(%dma_wait3A_282 : memref<64x768xf32, #tpu.memory_space<hbm>>)
    %dma_wait3A_283 = arith.constant 2 : i32
    %dma_wait3A_284 = arith.constant 0 : i32
    %dma_wait3A_285 = tpu.memref_slice %arg3[%dma_wait3A_283, %add3A_224, %dma_wait3A_284] : memref<4x8192x768xf32, #tpu.memory_space<hbm>> -> memref<1x64x768xf32, #tpu.memory_space<hbm>>
    %dma_wait3A_286 = tpu.memref_squeeze %dma_wait3A_285 : memref<1x64x768xf32, #tpu.memory_space<hbm>> -> memref<64x768xf32, #tpu.memory_space<hbm>>
    %dma_wait3A_287 = arith.constant 0 : i32
    %dma_wait3A_288 = tpu.memref_slice %arg3[%dma_wait3A_283, %add3A_224, %dma_wait3A_287] : memref<4x8192x768xf32, #tpu.memory_space<hbm>> -> memref<1x64x768xf32, #tpu.memory_space<hbm>>
    %dma_wait3A_289 = tpu.memref_squeeze %dma_wait3A_288 : memref<1x64x768xf32, #tpu.memory_space<hbm>> -> memref<64x768xf32, #tpu.memory_space<hbm>>
    tpu.wait_dma2 semaphore(%arg9 : memref<!tpu.dma_semaphore, #tpu.memory_space<semaphore_mem>>) src(%arg5 : memref<64x768xf32, #tpu.memory_space<vmem>>) dst(%dma_wait3A_289 : memref<64x768xf32, #tpu.memory_space<hbm>>)
    %dma_wait3A_290 = arith.constant 3 : i32
    %dma_wait3A_291 = arith.constant 0 : i32
    %dma_wait3A_292 = tpu.memref_slice %arg3[%dma_wait3A_290, %add3A_233, %dma_wait3A_291] : memref<4x8192x768xf32, #tpu.memory_space<hbm>> -> memref<1x64x768xf32, #tpu.memory_space<hbm>>
    %dma_wait3A_293 = tpu.memref_squeeze %dma_wait3A_292 : memref<1x64x768xf32, #tpu.memory_space<hbm>> -> memref<64x768xf32, #tpu.memory_space<hbm>>
    %dma_wait3A_294 = arith.constant 0 : i32
    %dma_wait3A_295 = tpu.memref_slice %arg3[%dma_wait3A_290, %add3A_233, %dma_wait3A_294] : memref<4x8192x768xf32, #tpu.memory_space<hbm>> -> memref<1x64x768xf32, #tpu.memory_space<hbm>>
    %dma_wait3A_296 = tpu.memref_squeeze %dma_wait3A_295 : memref<1x64x768xf32, #tpu.memory_space<hbm>> -> memref<64x768xf32, #tpu.memory_space<hbm>>
    tpu.wait_dma2 semaphore(%arg9 : memref<!tpu.dma_semaphore, #tpu.memory_space<semaphore_mem>>) src(%arg5 : memref<64x768xf32, #tpu.memory_space<vmem>>) dst(%dma_wait3A_296 : memref<64x768xf32, #tpu.memory_space<hbm>>)
    return
  }
}

</mosaic_0001>

<sc_bundles>
// kernel: kernel.3.cloned.1.call-start
scs
__scs_entry_jumppad:
0x0: {  	(pc) =	sbr.rel $0x88, $3  }
0x1: {  	(tag) =	ssettag $0x0;
	lr =	simm.s32 $0x1  }
0x2: {  	[smem:$0x3FA0] =	sst lr;
	_ =	strace $0xD0000000  }
0x3: {  	_ = 	snop  }
0x4: {  	_ = 	snop  }
0x5: {  	_ = 	snop  }
0x6: {  	_ = 	snop  }
0x7: {  	_ = 	snop  }
__scs_overlays_trampoline_lowered:
0x8: {  	[smem:$0x3FAF] =	sst s0  }
0x9: {  	[smem:$0x3FB0] =	sst s1  }
0xa: {  	[smem:$0x3FB1] =	sst s2  }
0xb: {  	[smem:$0x3FB2] =	sst s3  }
0xc: {  	[smem:$0x3FB3] =	sst s4  }
0xd: {  	[smem:$0x3FB4] =	sst s5  }
0xe: {  	[smem:$0x3FB5] =	sst s6  }
0xf: {  	[smem:$0x3FB6] =	sst s7  }
0x10: {  	[smem:$0x3FB7] =	sst s8  }
0x11: {  	[smem:$0x3FB8] =	sst s9;
	s0 =	simm.s32 @!p0 $0x0  }
0x12: {  	s1 =	sld [smem:$0x3F9E];
	s0 =	simm.s32 @p0 $0x1  }
0x13: {  	[smem:$0x3FB9] =	sst s0;
	s0 =	simm.s32 @!p1 $0x0  }
0x14: {  	s2 =	sld [smem:$0x3F9D];
	s0 =	simm.s32 @p1 $0x1  }
0x15: {  	[smem:$0x3FBA] =	sst s0;
	s0 =	simm.s32 @!p2 $0x0  }
0x16: {  	s3 =	sld [smem:$0x3FDB];
	s0 =	simm.s32 @p2 $0x1  }
0x17: {  	s4 =	simm.s32 $0x1BF5;
	[smem:$0x3FBC] =	sst s0  }
0x18: {  	s0 =	sld [smem:$0x3F9F];
	_ =	swait.ge [sflag:s4], $0x0  }
0x19: {  	s7 =	sld [smem:$0x3FA0]  }
0x1a: {  	s8 =	sadd.s32 $0xFFFFE003, lr  }
0x1b: {  	s9 =	sadd.s32 $0xFFFFFEF7, lr;
	s5 =	simm.s32 $0xFFFFFFFF;
	p2 =	slt.u32 s8, $0xFFFFF086  }
0x1c: {  	p1 =	slt.u32 s9, $0xF7A;
	s5 =	simm.s32 @!p2 $0x0  }
0x1d: {  	s5 =	simm.s32 @p1 $0x1;
	p0 =	seq.s32 s7, s2  }
0x1e: {  	s7 =	smul.u32 @!p0 $0xF7A, s2;
	p2 =	seq.s32 @!p0 s5, $0x0  }
0x1f: {  	s9 =	smul.u32 $0xF7A, s1;
	s8 =	simm.s32 @!p0 $0x1BF5;
	p2 =	por !p2, p0  }
0x20: {  	[sflag:s8] =	ssyncset.s32 @!p0 $0xFFFFF086;
	s6 =	sadd.s32 @!p0 s3, s7;
	s7 =	simm.s32 @!p0 $0x108  }
0x21: {  	s3 =	sadd.s32 s3, s9;
	s6 =	sadd.s32 @!p0 $0x88, s6;
	s7 =	simm.s32 @p2 $0x1082  }
0x22: {  	[simem:s7], [sflag:s8] =	dma.local @!p0 [hbm:s6], $0xF7A  }
0x23: {  	s9 =	sor.u32 $0xD0000000, s2;
	s6 =	simm.s32 $0x108;
	_ =	swait.ge @!p0 [sflag:s8], $0x0  }
0x24: {  	s3 =	sadd.s32 $0x88, s3;
	s6 =	simm.s32 @!p1 $0x1082;
	[sflag:s4] =	ssyncset.s32 $0xFFFFF086  }
0x25: {  	[simem:s6], [sflag:s4] =	dma.local [hbm:s3], $0xF7A  }
0x26: {  	[smem:$0x3FA0] =	sst s1;
	(tag) =	ssettag s2;
	_ =	strace s9  }
0x27: {  	s1 =	sld [smem:$0x3FB0]  }
0x28: {  	s2 =	sld [smem:$0x3FB1]  }
0x29: {  	s4 =	sld [smem:$0x3FB3]  }
0x2a: {  	p0 =	seq.s32 s5, $0x0;
	s5 =	sld [smem:$0x3FB4]  }
0x2b: {  	s6 =	sld [smem:$0x3FB5]  }
0x2c: {  	s7 =	sld [smem:$0x3FB6]  }
0x2d: {  	s3 =	simm.s32 $0x108;
	s8 =	sld [smem:$0x3FB7]  }
0x2e: {  	s3 =	simm.s32 @!p0 $0x1082;
	s9 =	sld [smem:$0x3FB8]  }
0x2f: {  	lr =	sadd.s32 s0, s3;
	s0 =	sld [smem:$0x3FAF]  }
0x30: {  	s3 =	sld [smem:$0x3FB2]  }
0x31: {  	[smem:$0x3FBB] =	sst s10  }
0x32: {  	s10 =	sld [smem:$0x3FB9];
	_ =	sdelay $0x3  }
0x33: {  	p0 =	seq.s32 s10, $0x1;
	s10 =	sld [smem:$0x3FBB];
	_ =	sdelay $0x3  }
0x34: {  	[smem:$0x3FBB] =	sst s10  }
0x35: {  	s10 =	sld [smem:$0x3FBA];
	_ =	sdelay $0x3  }
0x36: {  	p1 =	seq.s32 s10, $0x1;
	s10 =	sld [smem:$0x3FBB];
	_ =	sdelay $0x3  }
0x37: {  	[smem:$0x3FBB] =	sst s10  }
0x38: {  	s10 =	sld [smem:$0x3FBC]  }
0x39: {  	_ = 	snop;
	(pc) =	sbr.ind lr, $3  }
0x3a: {  	_ = 	snop  }
0x3b: {  	_ = 	snop  }
0x3c: {  	p2 =	seq.s32 s10, $0x1;
	s10 =	sld [smem:$0x3FBB]  }
0x3d: {  	_ =	shalt  }
0x3e: {  	_ =	shalt  }
0x3f: {  	_ =	shalt  }
0x40: {  	_ =	shalt  }
0x41: {  	_ =	shalt  }
0x42: {  	_ =	shalt  }
0x43: {  	_ =	shalt  }
0x44: {  	_ =	shalt  }
0x45: {  	_ =	shalt  }
0x46: {  	_ =	shalt  }
0x47: {  	_ =	shalt  }
0x48: {  	_ =	shalt  }
0x49: {  	_ =	shalt  }
0x4a: {  	_ =	shalt  }
0x4b: {  	_ =	shalt  }
0x4c: {  	_ =	shalt  }
0x4d: {  	_ =	shalt  }
0x4e: {  	_ =	shalt  }
0x4f: {  	_ =	shalt  }
0x50: {  	_ =	shalt  }
0x51: {  	_ =	shalt  }
0x52: {  	_ =	shalt  }
0x53: {  	_ =	shalt  }
0x54: {  	_ =	shalt  }
0x55: {  	_ =	shalt  }
0x56: {  	_ =	shalt  }
0x57: {  	_ =	shalt  }
0x58: {  	_ =	shalt  }
0x59: {  	_ =	shalt  }
0x5a: {  	_ =	shalt  }
0x5b: {  	_ =	shalt  }
0x5c: {  	_ =	shalt  }
0x5d: {  	_ =	shalt  }
0x5e: {  	_ =	shalt  }
0x5f: {  	_ =	shalt  }
0x60: {  	_ =	shalt  }
0x61: {  	_ =	shalt  }
0x62: {  	_ =	shalt  }
0x63: {  	_ =	shalt  }
0x64: {  	_ =	shalt  }
0x65: {  	_ =	shalt  }
0x66: {  	_ =	shalt  }
0x67: {  	_ =	shalt  }
0x68: {  	_ =	shalt  }
0x69: {  	_ =	shalt  }
0x6a: {  	_ =	shalt  }
0x6b: {  	_ =	shalt  }
0x6c: {  	_ =	shalt  }
0x6d: {  	_ =	shalt  }
0x6e: {  	_ =	shalt  }
0x6f: {  	_ =	shalt  }
0x70: {  	_ =	shalt  }
0x71: {  	_ =	shalt  }
0x72: {  	_ =	shalt  }
0x73: {  	_ =	shalt  }
0x74: {  	_ =	shalt  }
0x75: {  	_ =	shalt  }
0x76: {  	_ =	shalt  }
0x77: {  	_ =	shalt  }
0x78: {  	_ =	shalt  }
0x79: {  	_ =	shalt  }
0x7a: {  	_ =	shalt  }
0x7b: {  	_ =	shalt  }
0x7c: {  	_ =	shalt  }
0x7d: {  	_ =	shalt  }
0x7e: {  	_ =	shalt  }
0x7f: {  	_ =	shalt  }
0x80: {  	_ =	shalt  }
0x81: {  	_ =	shalt  }
0x82: {  	_ =	shalt  }
0x83: {  	_ =	shalt  }
0x84: {  	_ =	shalt  }
0x85: {  	_ =	shalt  }
0x86: {  	_ =	shalt  }
0x87: {  	_ =	shalt  }
.Lfunc_end0:
.L_simem_size_0:
called_computation_lowered:
.L_overlay_start_0:
0x88: {  	s2 =	sld [smem:$0x3FD9]  }
0x89: {  	s3 =	sld [smem:$0x3FFE];
	_ =	sdelay $0x1  }
0x8a: {  	s1 =	srdreg.scid  }
0x8b: {  	s0 =	sand.u32 $0x1, s1  }
0x8c: {  	s18 =	sshll.u32 s0, $0xA;
	s2 =	sadd.s32 s3, s2  }
0x8d: {  	s2 =	sadd.s32 s2, s18  }
0x8e: {  	[smem:$0x3FC7] =	sst s2  }
0x8f: {  	_ = 	snop  }
0x90: {  	s2 =	sld [smem:$0x3FC9]  }
0x91: {  	s19 =	sld [smem:$0x3FD0];
	(tm) =	ssettm $0x1  }
0x92: {  	s4 =	sld [smem:$0x3FFB];
	_ =	sdelay $0x3  }
0x93: {  	_ =	strace s4  }
0x94: {  	s4 =	sld [smem:$0x3FFC];
	_ =	sdelay $0x3  }
0x95: {  	_ =	strace s4  }
0x96: {  	s4 =	sld [smem:$0x3FFD];
	_ =	sdelay $0x3  }
0x97: {  	_ =	strace s4  }
0x98: {  	_ =	strace $0x8FFFFFFF  }
0x99: {  	s20 =	sld [smem:$0x3FDB];
	_ =	sdelay $0x1  }
0x9a: {  	s5 =	simm.s32 $_scs_section_size  }
0x9b: {  	s6 =	simm.s32 $_size__tile_overlayer_lowered;
	s7 =	simm.s32 $_tile_overlayer_lowered  }
0x9c: {  	s23 =	simm.s32 $0x1BFF;
	s22 =	sshll.u32 s7, $0x1;
	s4 =	sadd.s32 s5, s20  }
0x9d: {  	s8 =	simm.s32 $0x0;
	s21 =	sshll.u32 s6, $0x1;
	s6 =	sadd.s32 s22, s4  }
0x9e: {  	[timem:s8], [sflag:s23] =	dma.local [hbm:s6], s21  }
0x9f: {  	_ =	swait.ge [sflag:s23], s21  }
0xa0: {  	s5 =	ssub.s32 $0x0, s21;
	[sflag:s23] =	ssyncset.done $0x0  }
0xa1: {  	[sflag:s23] =	ssyncadd.s32 s5;
	_ =	sdelay $0x1  }
0xa2: {  	s24 =	simm.s32 $0x1B8B  }
0xa3: {  	_ =	swait.ge [sflag:s24], $0x1  }
0xa4: {  	[sflag:s24] =	ssyncset.done $0x0  }
0xa5: {  	s25 =	simm.s32 $0x1B8E;
	[sflag:s24] =	ssyncadd.s32 $0xFFFFFFFF  }
0xa6: {  	s26 =	simm.s32 $execute0_lowered;
	[smem:$0x3FD2] =	sst s25  }
0xa7: {  	s5 =	sshll.u32 s26, $0x1;
	_ =	strace $0x80000046;
	[dreg:$0x1] =	wrdreg $0xFFFFFFFF  }
0xa8: {  	s28 =	simm.s32 $_size_execute0_lowered;
	s4 =	sadd.s32 s4, s5;
	[dreg:$0x0] =	wrdreg $0x0  }
0xa9: {  	s5 =	sshll.u32 s28, $0x1;
	[dreg:$0x2] =	wrdreg s4  }
0xaa: {  	[dreg:$0x3] =	wrdreg s5  }
0xab: {  	[dreg:$0x4] =	wrdreg $0xC0  }
0xac: {  	_ =	task [dreg:s8], $0x5FFFF  }
0xad: {  	[dreg:$0x1] =	wrdreg $0xFFFFFFFF  }
0xae: {  	[dreg:$0x0] =	wrdreg $0x60  }
0xaf: {  	[dreg:$0x2] =	wrdreg s2  }
0xb0: {  	[dreg:$0x3] =	wrdreg s19  }
0xb1: {  	[dreg:$0x4] =	wrdreg $0x9  }
0xb2: {  	_ =	task.clear_ibuf [dreg:s8], $0x5FFFF;
	_ =	strace $0x90000046  }
0xb3: {  	s29 =	simm.s32 $0x9;
	_ =	strace $0x80000048  }
0xb4: {  	_ =	swait.ge [sflag:s29], $0x1  }
0xb5: {  	[sflag:s29] =	ssyncadd.s32 $0xFFFFFFFF  }
0xb6: {  	_ =	strace $0x90000048  }
0xb7: {  	_ =	sfence  }
0xb8: {  	s30 =	sld [smem:$0x0];
	_ =	sdelay $0x2  }
0xb9: {  	s31 =	sshll.u32 s1, $0xD;
	s1 =	sshrl.u32 s1, $0x2  }
0xba: {  	s3 =	sand.u32 $0x4000, s31;
	s1 =	sadd.s32 s1, s30  }
0xbb: {  	s0 =	sor.u32 s3, s0;
	s1 =	sshll.u32 s1, $0x11  }
0xbc: {  	s0 =	sor.u32 s1, s0  }
0xbd: {  	s0 =	sadd.s32 $0x8F2B, s0  }
0xbe: {  	[sflag:s0] =	ssyncadd.remote.s32 $0x1  }
0xbf: {  	_ =	sfence.sel $0xFFFF  }
0xc0: {  	[dreg:$0x0] =	wrdreg $0xFFFFFFFF;
	(pc) =	sbr.abs _section_cstart, $3  }
0xc1: {  	[dreg:$0x1] =	wrdreg $0xFFFFFFFF  }
0xc2: {  	_ =	task.clear_ibuf [dreg:s8], $0x2FFFF;
	_ =	strace $0x9FFFFFFF  }
0xc3: {  	(tm) =	ssettm $0x7FFFFFFF  }
tec
execute0_lowered:
.L_overlay_start_1:
0x0: {  	(tag) =	ssettag $0x1  }
0x1: {  	s1 =	srdreg.scid  }
0x2: {  	s0 =	stileid.u32;
	s29 =	sand.u32 $0x1, s1  }
0x3: {  	s31 =	sshll.u32 s0, $0x6;
	s2 =	sshll.u32 s29, $0x5  }
0x4: {  	s19 =	rddreg [dreg:$0x0];
	s1 =	sor.u32 s2, s31  }
0x5: {  	s24 =	rddreg [dreg:$0x1];
	s3 =	smul.u32 $0x1800, s1  }
0x6: {  	s2 =	simm.s32 $0x0;
	s1 =	rddreg [dreg:$0x2]  }
0x7: {  	[smem:$0x7FF] =	sst s2;
	s20 =	sshrl.u32 s3, $0x3  }
0x8: {  	_ =	strace $0x80000047;
	s3 =	sadd.s32 s19, s20;
	s14 =	sor.u32 $0x1800, s20  }
0x9: {  	[tilespmem:s2], [sflag:$0x1] =	stream.linear.gather [hbm4b:s3+s2], $0xC000, $0x38;
	[tilespmem:$0x18000] =	vst v63  }
0xa: {  	s5 =	simm.s32 $0xC000;
	s6 =	simm.s32 $0x1;
	s4 =	sadd.s32 s19, s14  }
0xb: {  	[tilespmem:s5], [sflag:$0x2] =	stream.linear.gather [hbm4b:s4+s2], $0xC000, $0x38;
	[tilespmem:$0x18000] =	vst v63  }
0xc: {  	_ =	swait.ge [sflag:s6], $0xC000  }
0xd: {  	[sflag:s6] =	ssyncset.done $0x0  }
0xe: {  	s7 =	sadd.s32 s24, s20;
	[sflag:s6] =	ssyncadd.s32 $0xFFFF4000  }
0xf: {  	[hbm4b:s7+s2] =	stream.linear.scatter [tilespmem:s2], [sflag:$0x3], $0xC000, $0x38;
	[tilespmem:$0x18000] =	vst v63  }
0x10: {  	s8 =	sadd.s32 $0xC0000, s7  }
0x11: {  	[hbm4b:s8+s2] =	stream.linear.scatter [tilespmem:s2], [sflag:$0x3], $0xC000, $0x38;
	[tilespmem:$0x18000] =	vst v63  }
0x12: {  	s9 =	sadd.s32 $0x180000, s7  }
0x13: {  	[hbm4b:s9+s2] =	stream.linear.scatter [tilespmem:s2], [sflag:$0x3], $0xC000, $0x38;
	[tilespmem:$0x18000] =	vst v63  }
0x14: {  	s11 =	simm.s32 $0x3;
	s10 =	sadd.s32 $0x240000, s7  }
0x15: {  	[hbm4b:s10+s2] =	stream.linear.scatter [tilespmem:s2], [sflag:$0x3], $0xC000, $0x38;
	[tilespmem:$0x18000] =	vst v63  }
0x16: {  	_ =	swait.ge [sflag:s11], $0xC000  }
0x17: {  	[sflag:s11] =	ssyncset.done $0x0  }
0x18: {  	[sflag:s11] =	ssyncadd.s32 $0xFFFF4000  }
0x19: {  	_ =	swait.ge [sflag:s11], $0xC000  }
0x1a: {  	[sflag:s11] =	ssyncset.done $0x0  }
0x1b: {  	[sflag:s11] =	ssyncadd.s32 $0xFFFF4000  }
0x1c: {  	_ =	swait.ge [sflag:s11], $0xC000  }
0x1d: {  	[sflag:s11] =	ssyncset.done $0x0  }
0x1e: {  	[sflag:s11] =	ssyncadd.s32 $0xFFFF4000  }
0x1f: {  	_ =	swait.ge [sflag:s11], $0xC000  }
0x20: {  	s21 =	sadd.s32 $0x3000, s20;
	[sflag:s11] =	ssyncset.done $0x0  }
0x21: {  	s13 =	simm.s32 $0x2;
	s12 =	sadd.s32 s19, s21;
	[sflag:s11] =	ssyncadd.s32 $0xFFFF4000  }
0x22: {  	[tilespmem:s2], [sflag:$0x1] =	stream.linear.gather [hbm4b:s12+s2], $0xC000, $0x38;
	[tilespmem:$0x18000] =	vst v63  }
0x23: {  	_ =	swait.ge [sflag:s13], $0xC000  }
0x24: {  	[sflag:s13] =	ssyncset.done $0x0  }
0x25: {  	s14 =	sadd.s32 s24, s14;
	[sflag:s13] =	ssyncadd.s32 $0xFFFF4000  }
0x26: {  	[hbm4b:s14+s2] =	stream.linear.scatter [tilespmem:s5], [sflag:$0x4], $0xC000, $0x38;
	[tilespmem:$0x18000] =	vst v63  }
0x27: {  	s15 =	sadd.s32 $0xC1800, s7  }
0x28: {  	[hbm4b:s15+s2] =	stream.linear.scatter [tilespmem:s5], [sflag:$0x4], $0xC000, $0x38;
	[tilespmem:$0x18000] =	vst v63  }
0x29: {  	s16 =	sadd.s32 $0x181800, s7  }
0x2a: {  	[hbm4b:s16+s2] =	stream.linear.scatter [tilespmem:s5], [sflag:$0x4], $0xC000, $0x38;
	[tilespmem:$0x18000] =	vst v63  }
0x2b: {  	s17 =	simm.s32 $0x4;
	s18 =	sadd.s32 $0x241800, s7  }
0x2c: {  	[hbm4b:s18+s2] =	stream.linear.scatter [tilespmem:s5], [sflag:$0x4], $0xC000, $0x38;
	[tilespmem:$0x18000] =	vst v63  }
0x2d: {  	_ =	swait.ge [sflag:s17], $0xC000  }
0x2e: {  	[sflag:s17] =	ssyncset.done $0x0  }
0x2f: {  	[sflag:s17] =	ssyncadd.s32 $0xFFFF4000  }
0x30: {  	_ =	swait.ge [sflag:s17], $0xC000  }
0x31: {  	[sflag:s17] =	ssyncset.done $0x0  }
0x32: {  	[sflag:s17] =	ssyncadd.s32 $0xFFFF4000  }
0x33: {  	_ =	swait.ge [sflag:s17], $0xC000  }
0x34: {  	[sflag:s17] =	ssyncset.done $0x0  }
0x35: {  	[sflag:s17] =	ssyncadd.s32 $0xFFFF4000  }
0x36: {  	_ =	swait.ge [sflag:s17], $0xC000  }
0x37: {  	s25 =	sadd.s32 $0x4800, s20;
	[sflag:s17] =	ssyncset.done $0x0  }
0x38: {  	s19 =	sadd.s32 s19, s25;
	[sflag:s17] =	ssyncadd.s32 $0xFFFF4000  }
0x39: {  	[tilespmem:s5], [sflag:$0x2] =	stream.linear.gather [hbm4b:s19+s2], $0xC000, $0x38;
	[tilespmem:$0x18000] =	vst v63  }
0x3a: {  	_ =	swait.ge [sflag:s6], $0xC000  }
0x3b: {  	[sflag:s6] =	ssyncset.done $0x0  }
0x3c: {  	s20 =	sadd.s32 s24, s21;
	[sflag:s6] =	ssyncadd.s32 $0xFFFF4000  }
0x3d: {  	[hbm4b:s20+s2] =	stream.linear.scatter [tilespmem:s2], [sflag:$0x3], $0xC000, $0x38;
	[tilespmem:$0x18000] =	vst v63  }
0x3e: {  	s21 =	sadd.s32 $0xC3000, s7  }
0x3f: {  	[hbm4b:s21+s2] =	stream.linear.scatter [tilespmem:s2], [sflag:$0x3], $0xC000, $0x38;
	[tilespmem:$0x18000] =	vst v63  }
0x40: {  	s22 =	sadd.s32 $0x183000, s7  }
0x41: {  	[hbm4b:s22+s2] =	stream.linear.scatter [tilespmem:s2], [sflag:$0x3], $0xC000, $0x38;
	[tilespmem:$0x18000] =	vst v63  }
0x42: {  	s23 =	sadd.s32 $0x243000, s7  }
0x43: {  	[hbm4b:s23+s2] =	stream.linear.scatter [tilespmem:s2], [sflag:$0x3], $0xC000, $0x38;
	[tilespmem:$0x18000] =	vst v63  }
0x44: {  	_ =	swait.ge [sflag:s13], $0xC000  }
0x45: {  	[sflag:s13] =	ssyncset.done $0x0  }
0x46: {  	s24 =	sadd.s32 s24, s25;
	[sflag:s13] =	ssyncadd.s32 $0xFFFF4000  }
0x47: {  	[hbm4b:s24+s2] =	stream.linear.scatter [tilespmem:s5], [sflag:$0x4], $0xC000, $0x38;
	[tilespmem:$0x18000] =	vst v63  }
0x48: {  	s25 =	sadd.s32 $0xC4800, s7  }
0x49: {  	[hbm4b:s25+s2] =	stream.linear.scatter [tilespmem:s5], [sflag:$0x4], $0xC000, $0x38;
	[tilespmem:$0x18000] =	vst v63  }
0x4a: {  	s26 =	sadd.s32 $0x184800, s7  }
0x4b: {  	[hbm4b:s26+s2] =	stream.linear.scatter [tilespmem:s5], [sflag:$0x4], $0xC000, $0x38;
	[tilespmem:$0x18000] =	vst v63  }
0x4c: {  	s28 =	sadd.s32 $0x244800, s7  }
0x4d: {  	[hbm4b:s28+s2] =	stream.linear.scatter [tilespmem:s5], [sflag:$0x4], $0xC000, $0x38;
	[tilespmem:$0x18000] =	vst v63  }
0x4e: {  	_ =	swait.ge [sflag:s11], $0xC000  }
0x4f: {  	[sflag:s11] =	ssyncset.done $0x0  }
0x50: {  	[sflag:s11] =	ssyncadd.s32 $0xFFFF4000  }
0x51: {  	_ =	swait.ge [sflag:s11], $0xC000  }
0x52: {  	[sflag:s11] =	ssyncset.done $0x0  }
0x53: {  	[sflag:s11] =	ssyncadd.s32 $0xFFFF4000  }
0x54: {  	_ =	swait.ge [sflag:s11], $0xC000  }
0x55: {  	[sflag:s11] =	ssyncset.done $0x0  }
0x56: {  	[sflag:s11] =	ssyncadd.s32 $0xFFFF4000  }
0x57: {  	_ =	swait.ge [sflag:s11], $0xC000  }
0x58: {  	[sflag:s11] =	ssyncset.done $0x0  }
0x59: {  	[sflag:s11] =	ssyncadd.s32 $0xFFFF4000  }
0x5a: {  	_ =	swait.ge [sflag:s17], $0xC000  }
0x5b: {  	s29 =	ssub.s32 $0x2, s29;
	[sflag:s17] =	ssyncset.done $0x0  }
0x5c: {  	s30 =	sshrl.u32 s29, $0x1;
	[sflag:s17] =	ssyncadd.s32 $0xFFFF4000  }
0x5d: {  	s29 =	ssub.s32 s29, s30;
	_ =	swait.ge [sflag:s17], $0xC000  }
0x5e: {  	s29 =	smax.u32 s29, $0x1;
	[sflag:s17] =	ssyncset.done $0x0  }
0x5f: {  	p0 =	sne.s32 s29, $0x1;
	[sflag:s17] =	ssyncadd.s32 $0xFFFF4000  }
.Ltmp0:
0x60: {  	_ =	swait.ge [sflag:s17], $0xC000;
	(pc) =	sbr.rel @!p0 .LBB2_2-.Ltmp0, $4  }
0x61: {  	[sflag:s17] =	ssyncset.done $0x0  }
0x62: {  	[sflag:s17] =	ssyncadd.s32 $0xFFFF4000  }
0x63: {  	_ =	swait.ge [sflag:s17], $0xC000  }
0x64: {  	s29 =	sadd.s32 $0xFFFFFFFF, s29;
	[sflag:s17] =	ssyncset.done $0x0  }
.LBB2_1:
0x65: {  	p0 =	sne.s32 s29, $0x1;
	s29 =	sadd.s32 $0xFFFFFFFF, s29;
	[sflag:s17] =	ssyncadd.s32 $0xFFFF4000  }
0x66: {  	[tilespmem:s2], [sflag:$0x1] =	stream.linear.gather [hbm4b:s3+s2], $0xC000, $0x38;
	[tilespmem:$0x18000] =	vst v63  }
0x67: {  	_ = 	snop  }
0x68: {  	[tilespmem:s5], [sflag:$0x2] =	stream.linear.gather [hbm4b:s4+s2], $0xC000, $0x38;
	[tilespmem:$0x18000] =	vst v63  }
0x69: {  	_ =	swait.ge [sflag:s6], $0xC000  }
0x6a: {  	[sflag:s6] =	ssyncset.done $0x0  }
0x6b: {  	[sflag:s6] =	ssyncadd.s32 $0xFFFF4000  }
0x6c: {  	[hbm4b:s7+s2] =	stream.linear.scatter [tilespmem:s2], [sflag:$0x3], $0xC000, $0x38;
	[tilespmem:$0x18000] =	vst v63  }
0x6d: {  	_ = 	snop  }
0x6e: {  	[hbm4b:s8+s2] =	stream.linear.scatter [tilespmem:s2], [sflag:$0x3], $0xC000, $0x38;
	[tilespmem:$0x18000] =	vst v63  }
0x6f: {  	_ = 	snop  }
0x70: {  	[hbm4b:s9+s2] =	stream.linear.scatter [tilespmem:s2], [sflag:$0x3], $0xC000, $0x38;
	[tilespmem:$0x18000] =	vst v63  }
0x71: {  	_ = 	snop  }
0x72: {  	[hbm4b:s10+s2] =	stream.linear.scatter [tilespmem:s2], [sflag:$0x3], $0xC000, $0x38;
	[tilespmem:$0x18000] =	vst v63  }
0x73: {  	_ =	swait.ge [sflag:s11], $0xC000  }
0x74: {  	[sflag:s11] =	ssyncset.done $0x0  }
0x75: {  	[sflag:s11] =	ssyncadd.s32 $0xFFFF4000  }
0x76: {  	_ =	swait.ge [sflag:s11], $0xC000  }
0x77: {  	[sflag:s11] =	ssyncset.done $0x0  }
0x78: {  	[sflag:s11] =	ssyncadd.s32 $0xFFFF4000  }
0x79: {  	_ =	swait.ge [sflag:s11], $0xC000  }
0x7a: {  	[sflag:s11] =	ssyncset.done $0x0  }
0x7b: {  	[sflag:s11] =	ssyncadd.s32 $0xFFFF4000  }
0x7c: {  	_ =	swait.ge [sflag:s11], $0xC000  }
0x7d: {  	[sflag:s11] =	ssyncset.done $0x0  }
0x7e: {  	[sflag:s11] =	ssyncadd.s32 $0xFFFF4000  }
0x7f: {  	[tilespmem:s2], [sflag:$0x1] =	stream.linear.gather [hbm4b:s12+s2], $0xC000, $0x38;
	[tilespmem:$0x18000] =	vst v63  }
0x80: {  	_ =	swait.ge [sflag:s13], $0xC000  }
0x81: {  	[sflag:s13] =	ssyncset.done $0x0  }
0x82: {  	[sflag:s13] =	ssyncadd.s32 $0xFFFF4000  }
0x83: {  	[hbm4b:s14+s2] =	stream.linear.scatter [tilespmem:s5], [sflag:$0x4], $0xC000, $0x38;
	[tilespmem:$0x18000] =	vst v63  }
0x84: {  	_ = 	snop  }
0x85: {  	[hbm4b:s15+s2] =	stream.linear.scatter [tilespmem:s5], [sflag:$0x4], $0xC000, $0x38;
	[tilespmem:$0x18000] =	vst v63  }
0x86: {  	_ = 	snop  }
0x87: {  	[hbm4b:s16+s2] =	stream.linear.scatter [tilespmem:s5], [sflag:$0x4], $0xC000, $0x38;
	[tilespmem:$0x18000] =	vst v63  }
0x88: {  	_ = 	snop  }
0x89: {  	[hbm4b:s18+s2] =	stream.linear.scatter [tilespmem:s5], [sflag:$0x4], $0xC000, $0x38;
	[tilespmem:$0x18000] =	vst v63  }
0x8a: {  	_ =	swait.ge [sflag:s17], $0xC000  }
0x8b: {  	[sflag:s17] =	ssyncset.done $0x0  }
0x8c: {  	[sflag:s17] =	ssyncadd.s32 $0xFFFF4000  }
0x8d: {  	_ =	swait.ge [sflag:s17], $0xC000  }
0x8e: {  	[sflag:s17] =	ssyncset.done $0x0  }
0x8f: {  	[sflag:s17] =	ssyncadd.s32 $0xFFFF4000  }
0x90: {  	_ =	swait.ge [sflag:s17], $0xC000  }
0x91: {  	[sflag:s17] =	ssyncset.done $0x0  }
0x92: {  	[sflag:s17] =	ssyncadd.s32 $0xFFFF4000  }
0x93: {  	_ =	swait.ge [sflag:s17], $0xC000  }
0x94: {  	[sflag:s17] =	ssyncset.done $0x0  }
0x95: {  	[sflag:s17] =	ssyncadd.s32 $0xFFFF4000  }
0x96: {  	[tilespmem:s5], [sflag:$0x2] =	stream.linear.gather [hbm4b:s19+s2], $0xC000, $0x38;
	[tilespmem:$0x18000] =	vst v63  }
0x97: {  	_ =	swait.ge [sflag:s6], $0xC000  }
0x98: {  	[sflag:s6] =	ssyncset.done $0x0  }
0x99: {  	[sflag:s6] =	ssyncadd.s32 $0xFFFF4000  }
0x9a: {  	[hbm4b:s20+s2] =	stream.linear.scatter [tilespmem:s2], [sflag:$0x3], $0xC000, $0x38;
	[tilespmem:$0x18000] =	vst v63  }
0x9b: {  	_ = 	snop  }
0x9c: {  	[hbm4b:s21+s2] =	stream.linear.scatter [tilespmem:s2], [sflag:$0x3], $0xC000, $0x38;
	[tilespmem:$0x18000] =	vst v63  }
0x9d: {  	_ = 	snop  }
0x9e: {  	[hbm4b:s22+s2] =	stream.linear.scatter [tilespmem:s2], [sflag:$0x3], $0xC000, $0x38;
	[tilespmem:$0x18000] =	vst v63  }
0x9f: {  	_ = 	snop  }
0xa0: {  	[hbm4b:s23+s2] =	stream.linear.scatter [tilespmem:s2], [sflag:$0x3], $0xC000, $0x38;
	[tilespmem:$0x18000] =	vst v63  }
0xa1: {  	_ =	swait.ge [sflag:s13], $0xC000  }
0xa2: {  	[sflag:s13] =	ssyncset.done $0x0  }
0xa3: {  	[sflag:s13] =	ssyncadd.s32 $0xFFFF4000  }
0xa4: {  	[hbm4b:s24+s2] =	stream.linear.scatter [tilespmem:s5], [sflag:$0x4], $0xC000, $0x38;
	[tilespmem:$0x18000] =	vst v63  }
0xa5: {  	_ = 	snop  }
0xa6: {  	[hbm4b:s25+s2] =	stream.linear.scatter [tilespmem:s5], [sflag:$0x4], $0xC000, $0x38;
	[tilespmem:$0x18000] =	vst v63  }
0xa7: {  	_ = 	snop  }
0xa8: {  	[hbm4b:s26+s2] =	stream.linear.scatter [tilespmem:s5], [sflag:$0x4], $0xC000, $0x38;
	[tilespmem:$0x18000] =	vst v63  }
0xa9: {  	_ = 	snop  }
0xaa: {  	[hbm4b:s28+s2] =	stream.linear.scatter [tilespmem:s5], [sflag:$0x4], $0xC000, $0x38;
	[tilespmem:$0x18000] =	vst v63  }
0xab: {  	_ =	swait.ge [sflag:s11], $0xC000  }
0xac: {  	[sflag:s11] =	ssyncset.done $0x0  }
0xad: {  	[sflag:s11] =	ssyncadd.s32 $0xFFFF4000  }
0xae: {  	_ =	swait.ge [sflag:s11], $0xC000  }
0xaf: {  	[sflag:s11] =	ssyncset.done $0x0  }
0xb0: {  	[sflag:s11] =	ssyncadd.s32 $0xFFFF4000  }
0xb1: {  	_ =	swait.ge [sflag:s11], $0xC000  }
0xb2: {  	[sflag:s11] =	ssyncset.done $0x0  }
0xb3: {  	[sflag:s11] =	ssyncadd.s32 $0xFFFF4000  }
0xb4: {  	_ =	swait.ge [sflag:s11], $0xC000  }
0xb5: {  	[sflag:s11] =	ssyncset.done $0x0  }
0xb6: {  	[sflag:s11] =	ssyncadd.s32 $0xFFFF4000  }
0xb7: {  	_ =	swait.ge [sflag:s17], $0xC000  }
0xb8: {  	[sflag:s17] =	ssyncset.done $0x0  }
0xb9: {  	[sflag:s17] =	ssyncadd.s32 $0xFFFF4000  }
0xba: {  	_ =	swait.ge [sflag:s17], $0xC000  }
0xbb: {  	[sflag:s17] =	ssyncset.done $0x0  }
0xbc: {  	[sflag:s17] =	ssyncadd.s32 $0xFFFF4000  }
.Ltmp1:
0xbd: {  	_ =	swait.ge [sflag:s17], $0xC000;
	(pc) =	sbr.rel @p0 .LBB2_1-.Ltmp1, $4  }
0xbe: {  	[sflag:s17] =	ssyncset.done $0x0  }
0xbf: {  	[sflag:s17] =	ssyncadd.s32 $0xFFFF4000  }
0xc0: {  	_ =	swait.ge [sflag:s17], $0xC000  }
0xc1: {  	[sflag:s17] =	ssyncset.done $0x0  }
.LBB2_2:
0xc2: {  	[sflag:s17] =	ssyncadd.s32 $0xFFFF4000  }
0xc3: {  	_ =	sfence.sel $0x180000  }
0xc4: {  	[bflag:$0x0] =	sbarrier.arrive $0xFFFF  }
0xc5: {  	p0 =	sne.s32 s0, $0x0;
	_ =	strace $0x90000047  }
0xc6: {  	s0 =	sadd.s32 @!p0 $0x100000, s1;
	[bflag:$0x2] =	sbarrier.arrive $0xFFFF  }
0xc7: {  	[sflag:s0] =	ssyncadd.tile.s32 @!p0 $0x1;
	_ =	shalt  }
.Lfunc_end2:
_tile_overlayer_lowered:
.L_overlay_start_2:
0xc8: {  	(tag) =	ssettag $0x2  }
0xc9: {  	s0 =	rddreg [dreg:$0x0];
	s2 =	stileid.u32  }
0xca: {  	s1 =	rddreg [dreg:$0x1];
	p0 =	sne.s32 s2, $0x0  }
0xcb: {  	s3 =	rddreg [dreg:$0x2];
	[bflag:$0x3] =	sbarrier.arrive $0xFFFF;
	s2 =	simm.s32 @!p0 $0x1C05  }
0xcc: {  	[timem:s3], [sflag:s2] =	dma.local @!p0 [hbm:s0], s1  }
0xcd: {  	s0 =	simm.s32 @!p0 $0x5  }
0xce: {  	_ =	swait.ge @!p0 [sflag:s0], s1  }
0xcf: {  	s1 =	ssub.s32 @!p0 $0x0, s1;
	[sflag:s0] =	ssyncset.done @!p0 $0x0  }
0xd0: {  	[sflag:s0] =	ssyncadd.s32 @!p0 s1  }
0xd1: {  	[bflag:$0x3] =	sbarrier.arrive $0xFFFF  }
0xd2: {  	_ =	shalt  }

</sc_bundles>
